<compile_context>
chip_gen: v7x
topology: tpu7x:2x2x1
jax: 0.10.2.dev20260603
libtpu: 0.0.44.dev20260713+nightly
codegen_flags: <defaults>
</compile_context>

<pallas_src>
import functools

import jax
import jax.numpy as jnp
from jax import lax
from jax.experimental import pallas as pl
from jax.experimental.pallas import tpu as pltpu
from jax.experimental.pallas import tpu_sc as plsc

_N = 10000
_E = 320000
_D = 128
_DG = 16
_NC = 2
_NS = 16
_NW = _NC * _NS
_EPW = _E // _NW
_C = 40
_NCH = _EPW // _C

_RPT = 640
_RLAST = _N - 15 * _RPT


def _sc_segment_sum(h, src_t, dst_t, zeros, zeros_dg, ones):
    mesh = plsc.VectorSubcoreMesh(core_axis_name="c", subcore_axis_name="s")

    @functools.partial(
        pl.kernel,
        mesh=mesh,
        out_type=[
            jax.ShapeDtypeStruct((_NC, _N, _D), jnp.float32),
            jax.ShapeDtypeStruct((_NC, _N, _DG), jnp.float32),
        ],
        scratch_types=[
            pltpu.VMEM((_NCH, _C), jnp.int32),
            pltpu.VMEM((_NCH, _C), jnp.int32),
            pltpu.VMEM((_C, _D), jnp.float32),
            pltpu.VMEM((_C, _D), jnp.float32),
            pltpu.VMEM((_C, _D), jnp.float32),
            pltpu.VMEM((_C, _DG), jnp.float32),
            pltpu.VMEM_SHARED((_N, _D), jnp.float32),
            pltpu.VMEM_SHARED((_N, _DG), jnp.float32),
            pltpu.SemaphoreType.DMA,
            pltpu.SemaphoreType.DMA,
            pltpu.SemaphoreType.DMA,
            pltpu.SemaphoreType.DMA,
            pltpu.SemaphoreType.DMA,
            pltpu.SemaphoreType.DMA,
            pltpu.SemaphoreType.DMA,
            pltpu.SemaphoreType.DMA,
            pltpu.SemaphoreType.DMA,
        ],
        compiler_params=pltpu.CompilerParams(use_tc_tiling_on_sc=False),
    )
    def k(h_hbm, src_hbm, dst_hbm, zero_hbm, zerodg_hbm, ones_hbm,
          out_hbm, outdg_hbm,
          src_v, dst_v, rows0, rows1, rows2, ones_v, acc, dacc,
          g0, g1, g2, s0, s1, s2, o0, o1, o2):
        cid = lax.axis_index("c")
        sid = lax.axis_index("s")
        wid = sid * _NC + cid

        rows = (rows0, rows1, rows2)
        gs = (g0, g1, g2)
        ss = (s0, s1, s2)
        os_ = (o0, o1, o2)

        @pl.when(sid < _NS - 1)
        def _():
            pltpu.sync_copy(zero_hbm.at[pl.ds(sid * _RPT, _RPT)],
                            acc.at[pl.ds(sid * _RPT, _RPT)])
            pltpu.sync_copy(zerodg_hbm.at[pl.ds(sid * _RPT, _RPT)],
                            dacc.at[pl.ds(sid * _RPT, _RPT)])

        @pl.when(sid == _NS - 1)
        def _():
            pltpu.sync_copy(zero_hbm.at[pl.ds(15 * _RPT, _RLAST)],
                            acc.at[pl.ds(15 * _RPT, _RLAST)])
            pltpu.sync_copy(zerodg_hbm.at[pl.ds(15 * _RPT, _RLAST)],
                            dacc.at[pl.ds(15 * _RPT, _RLAST)])

        pltpu.sync_copy(src_hbm.at[wid], src_v)
        pltpu.sync_copy(dst_hbm.at[wid], dst_v)
        pltpu.sync_copy(ones_hbm, ones_v)
        plsc.subcore_barrier()

        def start(j, p):
            pltpu.async_copy(h_hbm.at[src_v.at[j]], rows[p], gs[p])

        def finish(j, p, q, first=False):
            pltpu.make_async_copy(h_hbm.at[src_v.at[j]], rows[p], gs[p]).wait()
            pltpu.async_copy(rows[p], acc.at[dst_v.at[j]], ss[p], add=True)
            pltpu.async_copy(ones_v, dacc.at[dst_v.at[j]], os_[p], add=True)
            if not first:
                pltpu.make_async_copy(rows[q], acc.at[dst_v.at[j - 1]],
                                      ss[q]).wait()
                pltpu.make_async_copy(ones_v, dacc.at[dst_v.at[j - 1]],
                                      os_[q]).wait()

            @pl.when(j + 2 < _NCH)
            def _():
                start(j + 2, q)

        start(0, 0)
        start(1, 1)
        finish(0, 0, 2, first=True)

        def body(i, carry):
            a = 3 * i + 1
            finish(a, 1, 0)
            finish(a + 1, 2, 1)
            finish(a + 2, 0, 2)
            return carry

        lax.fori_loop(0, (_NCH - 1) // 3, body, None)
        pltpu.make_async_copy(rows[0], acc.at[dst_v.at[_NCH - 1]], ss[0]).wait()
        pltpu.make_async_copy(ones_v, dacc.at[dst_v.at[_NCH - 1]], os_[0]).wait()

        plsc.subcore_barrier()

        @pl.when(sid < _NS - 1)
        def _():
            pltpu.sync_copy(acc.at[pl.ds(sid * _RPT, _RPT)],
                            out_hbm.at[cid, pl.ds(sid * _RPT, _RPT)])
            pltpu.sync_copy(dacc.at[pl.ds(sid * _RPT, _RPT)],
                            outdg_hbm.at[cid, pl.ds(sid * _RPT, _RPT)])

        @pl.when(sid == _NS - 1)
        def _():
            pltpu.sync_copy(acc.at[pl.ds(15 * _RPT, _RLAST)],
                            out_hbm.at[cid, pl.ds(15 * _RPT, _RLAST)])
            pltpu.sync_copy(dacc.at[pl.ds(15 * _RPT, _RLAST)],
                            outdg_hbm.at[cid, pl.ds(15 * _RPT, _RLAST)])

    return k(h, src_t, dst_t, zeros, zeros_dg, ones)


def _tc_combine(sp, dp, h, w_in_t, w_out_t):
    blk = 1000

    def body(sp_ref, dp_ref, h_ref, wi_ref, wo_ref, o_ref):
        s = sp_ref[0] + sp_ref[1]
        deg = dp_ref[0, :, :1] + dp_ref[1, :, :1]
        y_in = jnp.dot(s, wi_ref[...], preferred_element_type=jnp.float32)
        y_out = jnp.dot(h_ref[...], wo_ref[...], preferred_element_type=jnp.float32)
        o_ref[...] = y_in + deg * y_out

    return pl.pallas_call(
        body,
        grid=(_N // blk,),
        in_specs=[
            pl.BlockSpec((_NC, blk, _D), lambda i: (0, i, 0)),
            pl.BlockSpec((_NC, blk, _DG), lambda i: (0, i, 0)),
            pl.BlockSpec((blk, _D), lambda i: (i, 0)),
            pl.BlockSpec((_D, _D), lambda i: (0, 0)),
            pl.BlockSpec((_D, _D), lambda i: (0, 0)),
        ],
        out_specs=pl.BlockSpec((blk, _D), lambda i: (i, 0)),
        out_shape=jax.ShapeDtypeStruct((_N, _D), jnp.float32),
    )(sp, dp, h, w_in_t, w_out_t)


def kernel(h, edge_index, W_in, W_out):
    n, d = h.shape
    src = edge_index[0].reshape(_NW, _NCH, _C)
    dst = edge_index[1].reshape(_NW, _NCH, _C)
    zeros = jnp.zeros((n, _D), jnp.float32)
    zeros_dg = jnp.zeros((n, _DG), jnp.float32)
    ones = jnp.ones((_C, _DG), jnp.float32)
    sp, dp = _sc_segment_sum(h, src, dst, zeros, zeros_dg, ones)
    return _tc_combine(sp, dp, h, W_in.T, W_out.T)

# --- scband reference (transcript-rebuilt; emitter-appended) ---
"""Pipeline reference for scband-pullout-layer-16844861735798 (READ-ONLY COPY).

The authoritative reference and input builder live on the scoring server;
editing this copy changes nothing except your own understanding.
"""

import jax, jax.numpy as jnp
import numpy as np

N = 10000
E = 320000
D_IN = 128
D_OUT = 128


def setup_inputs(seed: int = 0) -> dict:
    key = jax.random.key(seed)
    k1, k2, k3, k4 = jax.random.split(key, 4)
    h = jax.random.normal(k1, (N, D_IN), dtype=jnp.float32)
    edge_index = jax.random.randint(k2, (2, E), 0, N, dtype=jnp.int32)
    # xavier_normal-like init for the two linear weights (bias=False)
    gain = float(np.sqrt(2.0))  # calculate_gain('relu')
    std = gain * float(np.sqrt(2.0 / (D_IN + D_OUT)))
    W_in = jax.random.normal(k3, (D_OUT, D_IN), dtype=jnp.float32) * std
    W_out = jax.random.normal(k4, (D_OUT, D_IN), dtype=jnp.float32) * std
    return {"h": h, "edge_index": edge_index, "W_in": W_in, "W_out": W_out}


def reference(h, edge_index, W_in, W_out):
    # DGL update_all semantics:
    # message: s = src['z'], d = dst['z']
    # reduce:  h_v = sum_over_in_edges( in_w(s) ) + sum_over_in_edges( out_w(d) )
    # (cat along the edge/mailbox dim then sum over that dim == sum of both parts)
    src = edge_index[0]
    dst = edge_index[1]
    msg_s = jnp.take(h, src, axis=0) @ W_in.T   # [E, D_OUT]
    msg_d = jnp.take(h, dst, axis=0) @ W_out.T  # [E, D_OUT]
    out = jax.ops.segment_sum(msg_s + msg_d, dst, num_segments=N)  # [N, D_OUT]
    return out

if __name__ == "__main__":
    import jax
    _d = setup_inputs()
    print(jax.jit(kernel)(*tuple(_d.values())))

</pallas_src>

<mosaic_0001>
#map = affine_map<(d0, d1) -> (0, 0)>
#map1 = affine_map<(d0, d1) -> (0, 0, 0)>
module attributes {stable_mosaic.version = 14 : i64} {
  func.func @k(%arg0: i32, %arg1: i32, %arg2: memref<10000x128xf32, #tpu.memory_space<hbm>>, %arg3: memref<32x250x40xi32, #tpu.memory_space<hbm>>, %arg4: memref<32x250x40xi32, #tpu.memory_space<hbm>>, %arg5: memref<10000x128xf32, #tpu.memory_space<hbm>>, %arg6: memref<10000x16xf32, #tpu.memory_space<hbm>>, %arg7: memref<40x16xf32, #tpu.memory_space<hbm>>, %arg8: memref<2x10000x128xf32, #tpu.memory_space<hbm>>, %arg9: memref<2x10000x16xf32, #tpu.memory_space<hbm>>, %arg10: memref<250x40xi32, #tpu.memory_space<vmem>>, %arg11: memref<250x40xi32, #tpu.memory_space<vmem>>, %arg12: memref<40x128xf32, #tpu.memory_space<vmem>>, %arg13: memref<40x128xf32, #tpu.memory_space<vmem>>, %arg14: memref<40x128xf32, #tpu.memory_space<vmem>>, %arg15: memref<40x16xf32, #tpu.memory_space<vmem>>, %arg16: memref<10000x128xf32, #tpu.memory_space<vmem_shared>>, %arg17: memref<10000x16xf32, #tpu.memory_space<vmem_shared>>, %arg18: memref<!tpu.dma_semaphore, #tpu.memory_space<semaphore_mem>>, %arg19: memref<!tpu.dma_semaphore, #tpu.memory_space<semaphore_mem>>, %arg20: memref<!tpu.dma_semaphore, #tpu.memory_space<semaphore_mem>>, %arg21: memref<!tpu.dma_semaphore, #tpu.memory_space<semaphore_mem>>, %arg22: memref<!tpu.dma_semaphore, #tpu.memory_space<semaphore_mem>>, %arg23: memref<!tpu.dma_semaphore, #tpu.memory_space<semaphore_mem>>, %arg24: memref<!tpu.dma_semaphore, #tpu.memory_space<semaphore_mem>>, %arg25: memref<!tpu.dma_semaphore, #tpu.memory_space<semaphore_mem>>, %arg26: memref<!tpu.dma_semaphore, #tpu.memory_space<semaphore_mem>>) attributes {dimension_semantics = [#tpu.dimension_semantics<core_parallel>, #tpu.dimension_semantics<subcore_parallel>], iteration_bounds = array<i64: 2, 16>, scalar_prefetch = 0 : i64, scratch_operands = 17 : i64, tpu.core_type = #tpu.core_type<sc_vector_subcore>, window_params = [{transform_indices = #map}, {transform_indices = #map1}, {transform_indices = #map1}, {transform_indices = #map}, {transform_indices = #map}, {transform_indices = #map}, {transform_indices = #map1}, {transform_indices = #map1}]} {
    %mul3A = arith.constant 2 : i32
    %mul3A_0 = arith.muli %arg1, %mul3A : i32
    %add3A = arith.addi %mul3A_0, %arg0 : i32
    %lt3A = arith.constant 15 : i32
    %lt3A_1 = arith.cmpi slt, %arg1, %lt3A : i32
    %convert_element_type3A = arith.extui %lt3A_1 : i1 to i32
    %cond3A = arith.constant 0 : i32
    %cond3A_2 = arith.cmpi ne, %convert_element_type3A, %cond3A : i32
    scf.if %cond3A_2 {
      %mul3A_76 = arith.constant 640 : i32
      %mul3A_77 = arith.muli %arg1, %mul3A_76 : i32
      %mul3A_78 = arith.constant 640 : i32
      %mul3A_79 = arith.muli %arg1, %mul3A_78 : i32
      "tpu.region"() ({
        %run_scoped3A = tpu.sem_alloc : memref<!tpu.dma_semaphore, #tpu.memory_space<semaphore_mem>>
        %dma_start3A_84 = arith.constant 0 : i32
        %dma_start3A_85 = tpu.memref_slice %arg16[%mul3A_79, %dma_start3A_84] : memref<10000x128xf32, #tpu.memory_space<vmem_shared>> -> memref<640x128xf32, #tpu.memory_space<vmem_shared>>
        %dma_start3A_86 = arith.constant 0 : i32
        %dma_start3A_87 = tpu.memref_slice %arg5[%mul3A_77, %dma_start3A_86] : memref<10000x128xf32, #tpu.memory_space<hbm>> -> memref<640x128xf32, #tpu.memory_space<hbm>>
        tpu.enqueue_dma source(%dma_start3A_87 : memref<640x128xf32, #tpu.memory_space<hbm>>) target(%dma_start3A_85 : memref<640x128xf32, #tpu.memory_space<vmem_shared>>) target_semaphore(%run_scoped3A : memref<!tpu.dma_semaphore, #tpu.memory_space<semaphore_mem>>)
        %dma_wait3A_88 = arith.constant 0 : i32
        %dma_wait3A_89 = tpu.memref_slice %arg16[%mul3A_79, %dma_wait3A_88] : memref<10000x128xf32, #tpu.memory_space<vmem_shared>> -> memref<640x128xf32, #tpu.memory_space<vmem_shared>>
        %dma_wait3A_90 = arith.constant 0 : i32
        %dma_wait3A_91 = tpu.memref_slice %arg5[%mul3A_77, %dma_wait3A_90] : memref<10000x128xf32, #tpu.memory_space<hbm>> -> memref<640x128xf32, #tpu.memory_space<hbm>>
        tpu.wait_dma2 semaphore(%run_scoped3A : memref<!tpu.dma_semaphore, #tpu.memory_space<semaphore_mem>>) src(%dma_wait3A_91 : memref<640x128xf32, #tpu.memory_space<hbm>>) dst(%dma_wait3A_89 : memref<640x128xf32, #tpu.memory_space<vmem_shared>>)
        tpu.yield
      }) : () -> ()
      %mul3A_80 = arith.constant 640 : i32
      %mul3A_81 = arith.muli %arg1, %mul3A_80 : i32
      %mul3A_82 = arith.constant 640 : i32
      %mul3A_83 = arith.muli %arg1, %mul3A_82 : i32
      "tpu.region"() ({
        %run_scoped3A = tpu.sem_alloc : memref<!tpu.dma_semaphore, #tpu.memory_space<semaphore_mem>>
        %dma_start3A_84 = arith.constant 0 : i32
        %dma_start3A_85 = tpu.memref_slice %arg17[%mul3A_83, %dma_start3A_84] : memref<10000x16xf32, #tpu.memory_space<vmem_shared>> -> memref<640x16xf32, #tpu.memory_space<vmem_shared>>
        %dma_start3A_86 = arith.constant 0 : i32
        %dma_start3A_87 = tpu.memref_slice %arg6[%mul3A_81, %dma_start3A_86] : memref<10000x16xf32, #tpu.memory_space<hbm>> -> memref<640x16xf32, #tpu.memory_space<hbm>>
        tpu.enqueue_dma source(%dma_start3A_87 : memref<640x16xf32, #tpu.memory_space<hbm>>) target(%dma_start3A_85 : memref<640x16xf32, #tpu.memory_space<vmem_shared>>) target_semaphore(%run_scoped3A : memref<!tpu.dma_semaphore, #tpu.memory_space<semaphore_mem>>)
        %dma_wait3A_88 = arith.constant 0 : i32
        %dma_wait3A_89 = tpu.memref_slice %arg17[%mul3A_83, %dma_wait3A_88] : memref<10000x16xf32, #tpu.memory_space<vmem_shared>> -> memref<640x16xf32, #tpu.memory_space<vmem_shared>>
        %dma_wait3A_90 = arith.constant 0 : i32
        %dma_wait3A_91 = tpu.memref_slice %arg6[%mul3A_81, %dma_wait3A_90] : memref<10000x16xf32, #tpu.memory_space<hbm>> -> memref<640x16xf32, #tpu.memory_space<hbm>>
        tpu.wait_dma2 semaphore(%run_scoped3A : memref<!tpu.dma_semaphore, #tpu.memory_space<semaphore_mem>>) src(%dma_wait3A_91 : memref<640x16xf32, #tpu.memory_space<hbm>>) dst(%dma_wait3A_89 : memref<640x16xf32, #tpu.memory_space<vmem_shared>>)
        tpu.yield
      }) : () -> ()
    } else {
    }
    %eq3A = arith.constant 15 : i32
    %eq3A_3 = arith.cmpi eq, %arg1, %eq3A : i32
    %convert_element_type3A_4 = arith.extui %eq3A_3 : i1 to i32
    %cond3A_5 = arith.constant 0 : i32
    %cond3A_6 = arith.cmpi ne, %convert_element_type3A_4, %cond3A_5 : i32
    scf.if %cond3A_6 {
      "tpu.region"() ({
        %run_scoped3A = tpu.sem_alloc : memref<!tpu.dma_semaphore, #tpu.memory_space<semaphore_mem>>
        %dma_start3A_76 = arith.constant 9600 : i32
        %dma_start3A_77 = arith.constant 0 : i32
        %dma_start3A_78 = tpu.memref_slice %arg16[%dma_start3A_76, %dma_start3A_77] : memref<10000x128xf32, #tpu.memory_space<vmem_shared>> -> memref<400x128xf32, #tpu.memory_space<vmem_shared>>
        %dma_start3A_79 = arith.constant 9600 : i32
        %dma_start3A_80 = arith.constant 0 : i32
        %dma_start3A_81 = tpu.memref_slice %arg5[%dma_start3A_79, %dma_start3A_80] : memref<10000x128xf32, #tpu.memory_space<hbm>> -> memref<400x128xf32, #tpu.memory_space<hbm>>
        tpu.enqueue_dma source(%dma_start3A_81 : memref<400x128xf32, #tpu.memory_space<hbm>>) target(%dma_start3A_78 : memref<400x128xf32, #tpu.memory_space<vmem_shared>>) target_semaphore(%run_scoped3A : memref<!tpu.dma_semaphore, #tpu.memory_space<semaphore_mem>>)
        %dma_wait3A_82 = arith.constant 9600 : i32
        %dma_wait3A_83 = arith.constant 0 : i32
        %dma_wait3A_84 = tpu.memref_slice %arg16[%dma_wait3A_82, %dma_wait3A_83] : memref<10000x128xf32, #tpu.memory_space<vmem_shared>> -> memref<400x128xf32, #tpu.memory_space<vmem_shared>>
        %dma_wait3A_85 = arith.constant 9600 : i32
        %dma_wait3A_86 = arith.constant 0 : i32
        %dma_wait3A_87 = tpu.memref_slice %arg5[%dma_wait3A_85, %dma_wait3A_86] : memref<10000x128xf32, #tpu.memory_space<hbm>> -> memref<400x128xf32, #tpu.memory_space<hbm>>
        tpu.wait_dma2 semaphore(%run_scoped3A : memref<!tpu.dma_semaphore, #tpu.memory_space<semaphore_mem>>) src(%dma_wait3A_87 : memref<400x128xf32, #tpu.memory_space<hbm>>) dst(%dma_wait3A_84 : memref<400x128xf32, #tpu.memory_space<vmem_shared>>)
        tpu.yield
      }) : () -> ()
      "tpu.region"() ({
        %run_scoped3A = tpu.sem_alloc : memref<!tpu.dma_semaphore, #tpu.memory_space<semaphore_mem>>
        %dma_start3A_76 = arith.constant 9600 : i32
        %dma_start3A_77 = arith.constant 0 : i32
        %dma_start3A_78 = tpu.memref_slice %arg17[%dma_start3A_76, %dma_start3A_77] : memref<10000x16xf32, #tpu.memory_space<vmem_shared>> -> memref<400x16xf32, #tpu.memory_space<vmem_shared>>
        %dma_start3A_79 = arith.constant 9600 : i32
        %dma_start3A_80 = arith.constant 0 : i32
        %dma_start3A_81 = tpu.memref_slice %arg6[%dma_start3A_79, %dma_start3A_80] : memref<10000x16xf32, #tpu.memory_space<hbm>> -> memref<400x16xf32, #tpu.memory_space<hbm>>
        tpu.enqueue_dma source(%dma_start3A_81 : memref<400x16xf32, #tpu.memory_space<hbm>>) target(%dma_start3A_78 : memref<400x16xf32, #tpu.memory_space<vmem_shared>>) target_semaphore(%run_scoped3A : memref<!tpu.dma_semaphore, #tpu.memory_space<semaphore_mem>>)
        %dma_wait3A_82 = arith.constant 9600 : i32
        %dma_wait3A_83 = arith.constant 0 : i32
        %dma_wait3A_84 = tpu.memref_slice %arg17[%dma_wait3A_82, %dma_wait3A_83] : memref<10000x16xf32, #tpu.memory_space<vmem_shared>> -> memref<400x16xf32, #tpu.memory_space<vmem_shared>>
        %dma_wait3A_85 = arith.constant 9600 : i32
        %dma_wait3A_86 = arith.constant 0 : i32
        %dma_wait3A_87 = tpu.memref_slice %arg6[%dma_wait3A_85, %dma_wait3A_86] : memref<10000x16xf32, #tpu.memory_space<hbm>> -> memref<400x16xf32, #tpu.memory_space<hbm>>
        tpu.wait_dma2 semaphore(%run_scoped3A : memref<!tpu.dma_semaphore, #tpu.memory_space<semaphore_mem>>) src(%dma_wait3A_87 : memref<400x16xf32, #tpu.memory_space<hbm>>) dst(%dma_wait3A_84 : memref<400x16xf32, #tpu.memory_space<vmem_shared>>)
        tpu.yield
      }) : () -> ()
    } else {
    }
    "tpu.region"() ({
      %run_scoped3A = tpu.sem_alloc : memref<!tpu.dma_semaphore, #tpu.memory_space<semaphore_mem>>
      %dma_start3A_76 = arith.constant 0 : i32
      %dma_start3A_77 = arith.constant 0 : i32
      %dma_start3A_78 = tpu.memref_slice %arg3[%add3A, %dma_start3A_76, %dma_start3A_77] : memref<32x250x40xi32, #tpu.memory_space<hbm>> -> memref<1x250x40xi32, #tpu.memory_space<hbm>>
      %dma_start3A_79 = tpu.memref_squeeze %dma_start3A_78 : memref<1x250x40xi32, #tpu.memory_space<hbm>> -> memref<250x40xi32, #tpu.memory_space<hbm>>
      %dma_start3A_80 = arith.constant 0 : i32
      %dma_start3A_81 = arith.constant 0 : i32
      %dma_start3A_82 = tpu.memref_slice %arg3[%add3A, %dma_start3A_80, %dma_start3A_81] : memref<32x250x40xi32, #tpu.memory_space<hbm>> -> memref<1x250x40xi32, #tpu.memory_space<hbm>>
      %dma_start3A_83 = tpu.memref_squeeze %dma_start3A_82 : memref<1x250x40xi32, #tpu.memory_space<hbm>> -> memref<250x40xi32, #tpu.memory_space<hbm>>
      tpu.enqueue_dma source(%dma_start3A_83 : memref<250x40xi32, #tpu.memory_space<hbm>>) target(%arg10 : memref<250x40xi32, #tpu.memory_space<vmem>>) target_semaphore(%run_scoped3A : memref<!tpu.dma_semaphore, #tpu.memory_space<semaphore_mem>>)
      %dma_wait3A_84 = arith.constant 0 : i32
      %dma_wait3A_85 = arith.constant 0 : i32
      %dma_wait3A_86 = tpu.memref_slice %arg3[%add3A, %dma_wait3A_84, %dma_wait3A_85] : memref<32x250x40xi32, #tpu.memory_space<hbm>> -> memref<1x250x40xi32, #tpu.memory_space<hbm>>
      %dma_wait3A_87 = tpu.memref_squeeze %dma_wait3A_86 : memref<1x250x40xi32, #tpu.memory_space<hbm>> -> memref<250x40xi32, #tpu.memory_space<hbm>>
      %dma_wait3A_88 = arith.constant 0 : i32
      %dma_wait3A_89 = arith.constant 0 : i32
      %dma_wait3A_90 = tpu.memref_slice %arg3[%add3A, %dma_wait3A_88, %dma_wait3A_89] : memref<32x250x40xi32, #tpu.memory_space<hbm>> -> memref<1x250x40xi32, #tpu.memory_space<hbm>>
      %dma_wait3A_91 = tpu.memref_squeeze %dma_wait3A_90 : memref<1x250x40xi32, #tpu.memory_space<hbm>> -> memref<250x40xi32, #tpu.memory_space<hbm>>
      tpu.wait_dma2 semaphore(%run_scoped3A : memref<!tpu.dma_semaphore, #tpu.memory_space<semaphore_mem>>) src(%dma_wait3A_91 : memref<250x40xi32, #tpu.memory_space<hbm>>) dst(%arg10 : memref<250x40xi32, #tpu.memory_space<vmem>>)
      tpu.yield
    }) : () -> ()
    "tpu.region"() ({
      %run_scoped3A = tpu.sem_alloc : memref<!tpu.dma_semaphore, #tpu.memory_space<semaphore_mem>>
      %dma_start3A_76 = arith.constant 0 : i32
      %dma_start3A_77 = arith.constant 0 : i32
      %dma_start3A_78 = tpu.memref_slice %arg4[%add3A, %dma_start3A_76, %dma_start3A_77] : memref<32x250x40xi32, #tpu.memory_space<hbm>> -> memref<1x250x40xi32, #tpu.memory_space<hbm>>
      %dma_start3A_79 = tpu.memref_squeeze %dma_start3A_78 : memref<1x250x40xi32, #tpu.memory_space<hbm>> -> memref<250x40xi32, #tpu.memory_space<hbm>>
      %dma_start3A_80 = arith.constant 0 : i32
      %dma_start3A_81 = arith.constant 0 : i32
      %dma_start3A_82 = tpu.memref_slice %arg4[%add3A, %dma_start3A_80, %dma_start3A_81] : memref<32x250x40xi32, #tpu.memory_space<hbm>> -> memref<1x250x40xi32, #tpu.memory_space<hbm>>
      %dma_start3A_83 = tpu.memref_squeeze %dma_start3A_82 : memref<1x250x40xi32, #tpu.memory_space<hbm>> -> memref<250x40xi32, #tpu.memory_space<hbm>>
      tpu.enqueue_dma source(%dma_start3A_83 : memref<250x40xi32, #tpu.memory_space<hbm>>) target(%arg11 : memref<250x40xi32, #tpu.memory_space<vmem>>) target_semaphore(%run_scoped3A : memref<!tpu.dma_semaphore, #tpu.memory_space<semaphore_mem>>)
      %dma_wait3A_84 = arith.constant 0 : i32
      %dma_wait3A_85 = arith.constant 0 : i32
      %dma_wait3A_86 = tpu.memref_slice %arg4[%add3A, %dma_wait3A_84, %dma_wait3A_85] : memref<32x250x40xi32, #tpu.memory_space<hbm>> -> memref<1x250x40xi32, #tpu.memory_space<hbm>>
      %dma_wait3A_87 = tpu.memref_squeeze %dma_wait3A_86 : memref<1x250x40xi32, #tpu.memory_space<hbm>> -> memref<250x40xi32, #tpu.memory_space<hbm>>
      %dma_wait3A_88 = arith.constant 0 : i32
      %dma_wait3A_89 = arith.constant 0 : i32
      %dma_wait3A_90 = tpu.memref_slice %arg4[%add3A, %dma_wait3A_88, %dma_wait3A_89] : memref<32x250x40xi32, #tpu.memory_space<hbm>> -> memref<1x250x40xi32, #tpu.memory_space<hbm>>
      %dma_wait3A_91 = tpu.memref_squeeze %dma_wait3A_90 : memref<1x250x40xi32, #tpu.memory_space<hbm>> -> memref<250x40xi32, #tpu.memory_space<hbm>>
      tpu.wait_dma2 semaphore(%run_scoped3A : memref<!tpu.dma_semaphore, #tpu.memory_space<semaphore_mem>>) src(%dma_wait3A_91 : memref<250x40xi32, #tpu.memory_space<hbm>>) dst(%arg11 : memref<250x40xi32, #tpu.memory_space<vmem>>)
      tpu.yield
    }) : () -> ()
    "tpu.region"() ({
      %run_scoped3A = tpu.sem_alloc : memref<!tpu.dma_semaphore, #tpu.memory_space<semaphore_mem>>
      tpu.enqueue_dma source(%arg7 : memref<40x16xf32, #tpu.memory_space<hbm>>) target(%arg15 : memref<40x16xf32, #tpu.memory_space<vmem>>) target_semaphore(%run_scoped3A : memref<!tpu.dma_semaphore, #tpu.memory_space<semaphore_mem>>)
      tpu.wait_dma2 semaphore(%run_scoped3A : memref<!tpu.dma_semaphore, #tpu.memory_space<semaphore_mem>>) src(%arg7 : memref<40x16xf32, #tpu.memory_space<hbm>>) dst(%arg15 : memref<40x16xf32, #tpu.memory_space<vmem>>)
      tpu.yield
    }) : () -> ()
    %barrier3A = arith.constant 0 : index
    tpu.barrier barrier_id(%barrier3A)
    %dma_start3A = arith.constant 0 : i32
    %dma_start3A_7 = arith.constant 0 : i32
    %dma_start3A_8 = tpu.memref_slice %arg10[%dma_start3A, %dma_start3A_7] : memref<250x40xi32, #tpu.memory_space<vmem>> -> memref<1x40xi32, #tpu.memory_space<vmem>>
    %dma_start3A_9 = tpu.memref_squeeze %dma_start3A_8 : memref<1x40xi32, #tpu.memory_space<vmem>> -> memref<40xi32, #tpu.memory_space<vmem>>
    %dma_start3A_10 = arith.constant 0 : i32
    %dma_start3A_11 = arith.constant 0 : i32
    %dma_start3A_12 = tpu.memref_slice %arg2[%dma_start3A_10, %dma_start3A_11] : memref<10000x128xf32, #tpu.memory_space<hbm>> -> memref<10000x128xf32, #tpu.memory_space<hbm>>
    tpu.enqueue_indirect_dma source(%dma_start3A_12 : memref<10000x128xf32, #tpu.memory_space<hbm>>) target(%arg12 : memref<40x128xf32, #tpu.memory_space<vmem>>) offsets(%dma_start3A_9 : memref<40xi32, #tpu.memory_space<vmem>>) semaphore(%arg18 : memref<!tpu.dma_semaphore, #tpu.memory_space<semaphore_mem>>)
    %dma_start3A_13 = arith.constant 1 : i32
    %dma_start3A_14 = arith.constant 0 : i32
    %dma_start3A_15 = tpu.memref_slice %arg10[%dma_start3A_13, %dma_start3A_14] : memref<250x40xi32, #tpu.memory_space<vmem>> -> memref<1x40xi32, #tpu.memory_space<vmem>>
    %dma_start3A_16 = tpu.memref_squeeze %dma_start3A_15 : memref<1x40xi32, #tpu.memory_space<vmem>> -> memref<40xi32, #tpu.memory_space<vmem>>
    %dma_start3A_17 = arith.constant 0 : i32
    %dma_start3A_18 = arith.constant 0 : i32
    %dma_start3A_19 = tpu.memref_slice %arg2[%dma_start3A_17, %dma_start3A_18] : memref<10000x128xf32, #tpu.memory_space<hbm>> -> memref<10000x128xf32, #tpu.memory_space<hbm>>
    tpu.enqueue_indirect_dma source(%dma_start3A_19 : memref<10000x128xf32, #tpu.memory_space<hbm>>) target(%arg13 : memref<40x128xf32, #tpu.memory_space<vmem>>) offsets(%dma_start3A_16 : memref<40xi32, #tpu.memory_space<vmem>>) semaphore(%arg19 : memref<!tpu.dma_semaphore, #tpu.memory_space<semaphore_mem>>)
    %dma_wait3A = arith.constant 0 : i32
    %dma_wait3A_20 = arith.constant 0 : i32
    %dma_wait3A_21 = tpu.memref_slice %arg10[%dma_wait3A, %dma_wait3A_20] : memref<250x40xi32, #tpu.memory_space<vmem>> -> memref<1x40xi32, #tpu.memory_space<vmem>>
    %dma_wait3A_22 = tpu.memref_squeeze %dma_wait3A_21 : memref<1x40xi32, #tpu.memory_space<vmem>> -> memref<40xi32, #tpu.memory_space<vmem>>
    %dma_wait3A_23 = arith.constant 0 : i32
    %dma_wait3A_24 = arith.constant 0 : i32
    %dma_wait3A_25 = tpu.memref_slice %arg2[%dma_wait3A_23, %dma_wait3A_24] : memref<10000x128xf32, #tpu.memory_space<hbm>> -> memref<10000x128xf32, #tpu.memory_space<hbm>>
    tpu.wait_indirect_dma semaphore(%arg18 : memref<!tpu.dma_semaphore, #tpu.memory_space<semaphore_mem>>) src(%dma_wait3A_25 : memref<10000x128xf32, #tpu.memory_space<hbm>>) dst(%arg12 : memref<40x128xf32, #tpu.memory_space<vmem>>)
    %dma_start3A_26 = arith.constant 0 : i32
    %dma_start3A_27 = arith.constant 0 : i32
    %dma_start3A_28 = tpu.memref_slice %arg11[%dma_start3A_26, %dma_start3A_27] : memref<250x40xi32, #tpu.memory_space<vmem>> -> memref<1x40xi32, #tpu.memory_space<vmem>>
    %dma_start3A_29 = tpu.memref_squeeze %dma_start3A_28 : memref<1x40xi32, #tpu.memory_space<vmem>> -> memref<40xi32, #tpu.memory_space<vmem>>
    %dma_start3A_30 = arith.constant 0 : i32
    %dma_start3A_31 = arith.constant 0 : i32
    %dma_start3A_32 = tpu.memref_slice %arg16[%dma_start3A_30, %dma_start3A_31] : memref<10000x128xf32, #tpu.memory_space<vmem_shared>> -> memref<10000x128xf32, #tpu.memory_space<vmem_shared>>
    tpu.enqueue_indirect_dma source(%arg12 : memref<40x128xf32, #tpu.memory_space<vmem>>) target(%dma_start3A_32 : memref<10000x128xf32, #tpu.memory_space<vmem_shared>>) offsets(%dma_start3A_29 : memref<40xi32, #tpu.memory_space<vmem>>) semaphore(%arg21 : memref<!tpu.dma_semaphore, #tpu.memory_space<semaphore_mem>>) {add = true}
    %dma_start3A_33 = arith.constant 0 : i32
    %dma_start3A_34 = arith.constant 0 : i32
    %dma_start3A_35 = tpu.memref_slice %arg11[%dma_start3A_33, %dma_start3A_34] : memref<250x40xi32, #tpu.memory_space<vmem>> -> memref<1x40xi32, #tpu.memory_space<vmem>>
    %dma_start3A_36 = tpu.memref_squeeze %dma_start3A_35 : memref<1x40xi32, #tpu.memory_space<vmem>> -> memref<40xi32, #tpu.memory_space<vmem>>
    %dma_start3A_37 = arith.constant 0 : i32
    %dma_start3A_38 = arith.constant 0 : i32
    %dma_start3A_39 = tpu.memref_slice %arg17[%dma_start3A_37, %dma_start3A_38] : memref<10000x16xf32, #tpu.memory_space<vmem_shared>> -> memref<10000x16xf32, #tpu.memory_space<vmem_shared>>
    tpu.enqueue_indirect_dma source(%arg15 : memref<40x16xf32, #tpu.memory_space<vmem>>) target(%dma_start3A_39 : memref<10000x16xf32, #tpu.memory_space<vmem_shared>>) offsets(%dma_start3A_36 : memref<40xi32, #tpu.memory_space<vmem>>) semaphore(%arg24 : memref<!tpu.dma_semaphore, #tpu.memory_space<semaphore_mem>>) {add = true}
    %dma_start3A_40 = arith.constant 2 : i32
    %dma_start3A_41 = arith.constant 0 : i32
    %dma_start3A_42 = tpu.memref_slice %arg10[%dma_start3A_40, %dma_start3A_41] : memref<250x40xi32, #tpu.memory_space<vmem>> -> memref<1x40xi32, #tpu.memory_space<vmem>>
    %dma_start3A_43 = tpu.memref_squeeze %dma_start3A_42 : memref<1x40xi32, #tpu.memory_space<vmem>> -> memref<40xi32, #tpu.memory_space<vmem>>
    %dma_start3A_44 = arith.constant 0 : i32
    %dma_start3A_45 = arith.constant 0 : i32
    %dma_start3A_46 = tpu.memref_slice %arg2[%dma_start3A_44, %dma_start3A_45] : memref<10000x128xf32, #tpu.memory_space<hbm>> -> memref<10000x128xf32, #tpu.memory_space<hbm>>
    tpu.enqueue_indirect_dma source(%dma_start3A_46 : memref<10000x128xf32, #tpu.memory_space<hbm>>) target(%arg14 : memref<40x128xf32, #tpu.memory_space<vmem>>) offsets(%dma_start3A_43 : memref<40xi32, #tpu.memory_space<vmem>>) semaphore(%arg20 : memref<!tpu.dma_semaphore, #tpu.memory_space<semaphore_mem>>)
    %scan3A = arith.constant 0 : i32
    %scan3A_47 = arith.constant 83 : i32
    %scan3A_48 = arith.addi %scan3A, %scan3A_47 : i32
    %scan3A_49 = arith.constant 1 : i32
    scf.for %scan3A_76 = %scan3A to %scan3A_48 step %scan3A_49  : i32 {
      %mul3A_77 = arith.constant 3 : i32
      %mul3A_78 = arith.muli %mul3A_77, %scan3A_76 : i32
      %add3A_79 = arith.constant 1 : i32
      %add3A_80 = arith.addi %mul3A_78, %add3A_79 : i32
      %dma_wait3A_81 = arith.constant 0 : i32
      %dma_wait3A_82 = tpu.memref_slice %arg10[%add3A_80, %dma_wait3A_81] : memref<250x40xi32, #tpu.memory_space<vmem>> -> memref<1x40xi32, #tpu.memory_space<vmem>>
      %dma_wait3A_83 = tpu.memref_squeeze %dma_wait3A_82 : memref<1x40xi32, #tpu.memory_space<vmem>> -> memref<40xi32, #tpu.memory_space<vmem>>
      %dma_wait3A_84 = arith.constant 0 : i32
      %dma_wait3A_85 = arith.constant 0 : i32
      %dma_wait3A_86 = tpu.memref_slice %arg2[%dma_wait3A_84, %dma_wait3A_85] : memref<10000x128xf32, #tpu.memory_space<hbm>> -> memref<10000x128xf32, #tpu.memory_space<hbm>>
      tpu.wait_indirect_dma semaphore(%arg19 : memref<!tpu.dma_semaphore, #tpu.memory_space<semaphore_mem>>) src(%dma_wait3A_86 : memref<10000x128xf32, #tpu.memory_space<hbm>>) dst(%arg13 : memref<40x128xf32, #tpu.memory_space<vmem>>)
      %dma_start3A_87 = arith.constant 0 : i32
      %dma_start3A_88 = tpu.memref_slice %arg11[%add3A_80, %dma_start3A_87] : memref<250x40xi32, #tpu.memory_space<vmem>> -> memref<1x40xi32, #tpu.memory_space<vmem>>
      %dma_start3A_89 = tpu.memref_squeeze %dma_start3A_88 : memref<1x40xi32, #tpu.memory_space<vmem>> -> memref<40xi32, #tpu.memory_space<vmem>>
      %dma_start3A_90 = arith.constant 0 : i32
      %dma_start3A_91 = arith.constant 0 : i32
      %dma_start3A_92 = tpu.memref_slice %arg16[%dma_start3A_90, %dma_start3A_91] : memref<10000x128xf32, #tpu.memory_space<vmem_shared>> -> memref<10000x128xf32, #tpu.memory_space<vmem_shared>>
      tpu.enqueue_indirect_dma source(%arg13 : memref<40x128xf32, #tpu.memory_space<vmem>>) target(%dma_start3A_92 : memref<10000x128xf32, #tpu.memory_space<vmem_shared>>) offsets(%dma_start3A_89 : memref<40xi32, #tpu.memory_space<vmem>>) semaphore(%arg22 : memref<!tpu.dma_semaphore, #tpu.memory_space<semaphore_mem>>) {add = true}
      %dma_start3A_93 = arith.constant 0 : i32
      %dma_start3A_94 = tpu.memref_slice %arg11[%add3A_80, %dma_start3A_93] : memref<250x40xi32, #tpu.memory_space<vmem>> -> memref<1x40xi32, #tpu.memory_space<vmem>>
      %dma_start3A_95 = tpu.memref_squeeze %dma_start3A_94 : memref<1x40xi32, #tpu.memory_space<vmem>> -> memref<40xi32, #tpu.memory_space<vmem>>
      %dma_start3A_96 = arith.constant 0 : i32
      %dma_start3A_97 = arith.constant 0 : i32
      %dma_start3A_98 = tpu.memref_slice %arg17[%dma_start3A_96, %dma_start3A_97] : memref<10000x16xf32, #tpu.memory_space<vmem_shared>> -> memref<10000x16xf32, #tpu.memory_space<vmem_shared>>
      tpu.enqueue_indirect_dma source(%arg15 : memref<40x16xf32, #tpu.memory_space<vmem>>) target(%dma_start3A_98 : memref<10000x16xf32, #tpu.memory_space<vmem_shared>>) offsets(%dma_start3A_95 : memref<40xi32, #tpu.memory_space<vmem>>) semaphore(%arg25 : memref<!tpu.dma_semaphore, #tpu.memory_space<semaphore_mem>>) {add = true}
      %sub3A = arith.constant 1 : i32
      %sub3A_99 = arith.subi %add3A_80, %sub3A : i32
      %dma_wait3A_100 = arith.constant 0 : i32
      %dma_wait3A_101 = tpu.memref_slice %arg11[%sub3A_99, %dma_wait3A_100] : memref<250x40xi32, #tpu.memory_space<vmem>> -> memref<1x40xi32, #tpu.memory_space<vmem>>
      %dma_wait3A_102 = tpu.memref_squeeze %dma_wait3A_101 : memref<1x40xi32, #tpu.memory_space<vmem>> -> memref<40xi32, #tpu.memory_space<vmem>>
      %dma_wait3A_103 = arith.constant 0 : i32
      %dma_wait3A_104 = arith.constant 0 : i32
      %dma_wait3A_105 = tpu.memref_slice %arg16[%dma_wait3A_103, %dma_wait3A_104] : memref<10000x128xf32, #tpu.memory_space<vmem_shared>> -> memref<10000x128xf32, #tpu.memory_space<vmem_shared>>
      tpu.wait_indirect_dma semaphore(%arg21 : memref<!tpu.dma_semaphore, #tpu.memory_space<semaphore_mem>>) src(%arg12 : memref<40x128xf32, #tpu.memory_space<vmem>>) dst(%dma_wait3A_105 : memref<10000x128xf32, #tpu.memory_space<vmem_shared>>)
      %sub3A_106 = arith.constant 1 : i32
      %sub3A_107 = arith.subi %add3A_80, %sub3A_106 : i32
      %dma_wait3A_108 = arith.constant 0 : i32
      %dma_wait3A_109 = tpu.memref_slice %arg11[%sub3A_107, %dma_wait3A_108] : memref<250x40xi32, #tpu.memory_space<vmem>> -> memref<1x40xi32, #tpu.memory_space<vmem>>
      %dma_wait3A_110 = tpu.memref_squeeze %dma_wait3A_109 : memref<1x40xi32, #tpu.memory_space<vmem>> -> memref<40xi32, #tpu.memory_space<vmem>>
      %dma_wait3A_111 = arith.constant 0 : i32
      %dma_wait3A_112 = arith.constant 0 : i32
      %dma_wait3A_113 = tpu.memref_slice %arg17[%dma_wait3A_111, %dma_wait3A_112] : memref<10000x16xf32, #tpu.memory_space<vmem_shared>> -> memref<10000x16xf32, #tpu.memory_space<vmem_shared>>
      tpu.wait_indirect_dma semaphore(%arg24 : memref<!tpu.dma_semaphore, #tpu.memory_space<semaphore_mem>>) src(%arg15 : memref<40x16xf32, #tpu.memory_space<vmem>>) dst(%dma_wait3A_113 : memref<10000x16xf32, #tpu.memory_space<vmem_shared>>)
      %add3A_114 = arith.constant 2 : i32
      %add3A_115 = arith.addi %add3A_80, %add3A_114 : i32
      %lt3A_116 = arith.constant 250 : i32
      %lt3A_117 = arith.cmpi slt, %add3A_115, %lt3A_116 : i32
      %convert_element_type3A_118 = arith.extui %lt3A_117 : i1 to i32
      %cond3A_119 = arith.constant 0 : i32
      %cond3A_120 = arith.cmpi ne, %convert_element_type3A_118, %cond3A_119 : i32
      scf.if %cond3A_120 {
        %add3A_207 = arith.constant 2 : i32
        %add3A_208 = arith.addi %add3A_80, %add3A_207 : i32
        %dma_start3A_209 = arith.constant 0 : i32
        %dma_start3A_210 = tpu.memref_slice %arg10[%add3A_208, %dma_start3A_209] : memref<250x40xi32, #tpu.memory_space<vmem>> -> memref<1x40xi32, #tpu.memory_space<vmem>>
        %dma_start3A_211 = tpu.memref_squeeze %dma_start3A_210 : memref<1x40xi32, #tpu.memory_space<vmem>> -> memref<40xi32, #tpu.memory_space<vmem>>
        %dma_start3A_212 = arith.constant 0 : i32
        %dma_start3A_213 = arith.constant 0 : i32
        %dma_start3A_214 = tpu.memref_slice %arg2[%dma_start3A_212, %dma_start3A_213] : memref<10000x128xf32, #tpu.memory_space<hbm>> -> memref<10000x128xf32, #tpu.memory_space<hbm>>
        tpu.enqueue_indirect_dma source(%dma_start3A_214 : memref<10000x128xf32, #tpu.memory_space<hbm>>) target(%arg12 : memref<40x128xf32, #tpu.memory_space<vmem>>) offsets(%dma_start3A_211 : memref<40xi32, #tpu.memory_space<vmem>>) semaphore(%arg18 : memref<!tpu.dma_semaphore, #tpu.memory_space<semaphore_mem>>)
      } else {
      }
      %add3A_121 = arith.constant 1 : i32
      %add3A_122 = arith.addi %add3A_80, %add3A_121 : i32
      %dma_wait3A_123 = arith.constant 0 : i32
      %dma_wait3A_124 = tpu.memref_slice %arg10[%add3A_122, %dma_wait3A_123] : memref<250x40xi32, #tpu.memory_space<vmem>> -> memref<1x40xi32, #tpu.memory_space<vmem>>
      %dma_wait3A_125 = tpu.memref_squeeze %dma_wait3A_124 : memref<1x40xi32, #tpu.memory_space<vmem>> -> memref<40xi32, #tpu.memory_space<vmem>>
      %dma_wait3A_126 = arith.constant 0 : i32
      %dma_wait3A_127 = arith.constant 0 : i32
      %dma_wait3A_128 = tpu.memref_slice %arg2[%dma_wait3A_126, %dma_wait3A_127] : memref<10000x128xf32, #tpu.memory_space<hbm>> -> memref<10000x128xf32, #tpu.memory_space<hbm>>
      tpu.wait_indirect_dma semaphore(%arg20 : memref<!tpu.dma_semaphore, #tpu.memory_space<semaphore_mem>>) src(%dma_wait3A_128 : memref<10000x128xf32, #tpu.memory_space<hbm>>) dst(%arg14 : memref<40x128xf32, #tpu.memory_space<vmem>>)
      %dma_start3A_129 = arith.constant 0 : i32
      %dma_start3A_130 = tpu.memref_slice %arg11[%add3A_122, %dma_start3A_129] : memref<250x40xi32, #tpu.memory_space<vmem>> -> memref<1x40xi32, #tpu.memory_space<vmem>>
      %dma_start3A_131 = tpu.memref_squeeze %dma_start3A_130 : memref<1x40xi32, #tpu.memory_space<vmem>> -> memref<40xi32, #tpu.memory_space<vmem>>
      %dma_start3A_132 = arith.constant 0 : i32
      %dma_start3A_133 = arith.constant 0 : i32
      %dma_start3A_134 = tpu.memref_slice %arg16[%dma_start3A_132, %dma_start3A_133] : memref<10000x128xf32, #tpu.memory_space<vmem_shared>> -> memref<10000x128xf32, #tpu.memory_space<vmem_shared>>
      tpu.enqueue_indirect_dma source(%arg14 : memref<40x128xf32, #tpu.memory_space<vmem>>) target(%dma_start3A_134 : memref<10000x128xf32, #tpu.memory_space<vmem_shared>>) offsets(%dma_start3A_131 : memref<40xi32, #tpu.memory_space<vmem>>) semaphore(%arg23 : memref<!tpu.dma_semaphore, #tpu.memory_space<semaphore_mem>>) {add = true}
      %dma_start3A_135 = arith.constant 0 : i32
      %dma_start3A_136 = tpu.memref_slice %arg11[%add3A_122, %dma_start3A_135] : memref<250x40xi32, #tpu.memory_space<vmem>> -> memref<1x40xi32, #tpu.memory_space<vmem>>
      %dma_start3A_137 = tpu.memref_squeeze %dma_start3A_136 : memref<1x40xi32, #tpu.memory_space<vmem>> -> memref<40xi32, #tpu.memory_space<vmem>>
      %dma_start3A_138 = arith.constant 0 : i32
      %dma_start3A_139 = arith.constant 0 : i32
      %dma_start3A_140 = tpu.memref_slice %arg17[%dma_start3A_138, %dma_start3A_139] : memref<10000x16xf32, #tpu.memory_space<vmem_shared>> -> memref<10000x16xf32, #tpu.memory_space<vmem_shared>>
      tpu.enqueue_indirect_dma source(%arg15 : memref<40x16xf32, #tpu.memory_space<vmem>>) target(%dma_start3A_140 : memref<10000x16xf32, #tpu.memory_space<vmem_shared>>) offsets(%dma_start3A_137 : memref<40xi32, #tpu.memory_space<vmem>>) semaphore(%arg26 : memref<!tpu.dma_semaphore, #tpu.memory_space<semaphore_mem>>) {add = true}
      %sub3A_141 = arith.constant 1 : i32
      %sub3A_142 = arith.subi %add3A_122, %sub3A_141 : i32
      %dma_wait3A_143 = arith.constant 0 : i32
      %dma_wait3A_144 = tpu.memref_slice %arg11[%sub3A_142, %dma_wait3A_143] : memref<250x40xi32, #tpu.memory_space<vmem>> -> memref<1x40xi32, #tpu.memory_space<vmem>>
      %dma_wait3A_145 = tpu.memref_squeeze %dma_wait3A_144 : memref<1x40xi32, #tpu.memory_space<vmem>> -> memref<40xi32, #tpu.memory_space<vmem>>
      %dma_wait3A_146 = arith.constant 0 : i32
      %dma_wait3A_147 = arith.constant 0 : i32
      %dma_wait3A_148 = tpu.memref_slice %arg16[%dma_wait3A_146, %dma_wait3A_147] : memref<10000x128xf32, #tpu.memory_space<vmem_shared>> -> memref<10000x128xf32, #tpu.memory_space<vmem_shared>>
      tpu.wait_indirect_dma semaphore(%arg22 : memref<!tpu.dma_semaphore, #tpu.memory_space<semaphore_mem>>) src(%arg13 : memref<40x128xf32, #tpu.memory_space<vmem>>) dst(%dma_wait3A_148 : memref<10000x128xf32, #tpu.memory_space<vmem_shared>>)
      %sub3A_149 = arith.constant 1 : i32
      %sub3A_150 = arith.subi %add3A_122, %sub3A_149 : i32
      %dma_wait3A_151 = arith.constant 0 : i32
      %dma_wait3A_152 = tpu.memref_slice %arg11[%sub3A_150, %dma_wait3A_151] : memref<250x40xi32, #tpu.memory_space<vmem>> -> memref<1x40xi32, #tpu.memory_space<vmem>>
      %dma_wait3A_153 = tpu.memref_squeeze %dma_wait3A_152 : memref<1x40xi32, #tpu.memory_space<vmem>> -> memref<40xi32, #tpu.memory_space<vmem>>
      %dma_wait3A_154 = arith.constant 0 : i32
      %dma_wait3A_155 = arith.constant 0 : i32
      %dma_wait3A_156 = tpu.memref_slice %arg17[%dma_wait3A_154, %dma_wait3A_155] : memref<10000x16xf32, #tpu.memory_space<vmem_shared>> -> memref<10000x16xf32, #tpu.memory_space<vmem_shared>>
      tpu.wait_indirect_dma semaphore(%arg25 : memref<!tpu.dma_semaphore, #tpu.memory_space<semaphore_mem>>) src(%arg15 : memref<40x16xf32, #tpu.memory_space<vmem>>) dst(%dma_wait3A_156 : memref<10000x16xf32, #tpu.memory_space<vmem_shared>>)
      %add3A_157 = arith.constant 2 : i32
      %add3A_158 = arith.addi %add3A_122, %add3A_157 : i32
      %lt3A_159 = arith.constant 250 : i32
      %lt3A_160 = arith.cmpi slt, %add3A_158, %lt3A_159 : i32
      %convert_element_type3A_161 = arith.extui %lt3A_160 : i1 to i32
      %cond3A_162 = arith.constant 0 : i32
      %cond3A_163 = arith.cmpi ne, %convert_element_type3A_161, %cond3A_162 : i32
      scf.if %cond3A_163 {
        %add3A_207 = arith.constant 2 : i32
        %add3A_208 = arith.addi %add3A_122, %add3A_207 : i32
        %dma_start3A_209 = arith.constant 0 : i32
        %dma_start3A_210 = tpu.memref_slice %arg10[%add3A_208, %dma_start3A_209] : memref<250x40xi32, #tpu.memory_space<vmem>> -> memref<1x40xi32, #tpu.memory_space<vmem>>
        %dma_start3A_211 = tpu.memref_squeeze %dma_start3A_210 : memref<1x40xi32, #tpu.memory_space<vmem>> -> memref<40xi32, #tpu.memory_space<vmem>>
        %dma_start3A_212 = arith.constant 0 : i32
        %dma_start3A_213 = arith.constant 0 : i32
        %dma_start3A_214 = tpu.memref_slice %arg2[%dma_start3A_212, %dma_start3A_213] : memref<10000x128xf32, #tpu.memory_space<hbm>> -> memref<10000x128xf32, #tpu.memory_space<hbm>>
        tpu.enqueue_indirect_dma source(%dma_start3A_214 : memref<10000x128xf32, #tpu.memory_space<hbm>>) target(%arg13 : memref<40x128xf32, #tpu.memory_space<vmem>>) offsets(%dma_start3A_211 : memref<40xi32, #tpu.memory_space<vmem>>) semaphore(%arg19 : memref<!tpu.dma_semaphore, #tpu.memory_space<semaphore_mem>>)
      } else {
      }
      %add3A_164 = arith.constant 2 : i32
      %add3A_165 = arith.addi %add3A_80, %add3A_164 : i32
      %dma_wait3A_166 = arith.constant 0 : i32
      %dma_wait3A_167 = tpu.memref_slice %arg10[%add3A_165, %dma_wait3A_166] : memref<250x40xi32, #tpu.memory_space<vmem>> -> memref<1x40xi32, #tpu.memory_space<vmem>>
      %dma_wait3A_168 = tpu.memref_squeeze %dma_wait3A_167 : memref<1x40xi32, #tpu.memory_space<vmem>> -> memref<40xi32, #tpu.memory_space<vmem>>
      %dma_wait3A_169 = arith.constant 0 : i32
      %dma_wait3A_170 = arith.constant 0 : i32
      %dma_wait3A_171 = tpu.memref_slice %arg2[%dma_wait3A_169, %dma_wait3A_170] : memref<10000x128xf32, #tpu.memory_space<hbm>> -> memref<10000x128xf32, #tpu.memory_space<hbm>>
      tpu.wait_indirect_dma semaphore(%arg18 : memref<!tpu.dma_semaphore, #tpu.memory_space<semaphore_mem>>) src(%dma_wait3A_171 : memref<10000x128xf32, #tpu.memory_space<hbm>>) dst(%arg12 : memref<40x128xf32, #tpu.memory_space<vmem>>)
      %dma_start3A_172 = arith.constant 0 : i32
      %dma_start3A_173 = tpu.memref_slice %arg11[%add3A_165, %dma_start3A_172] : memref<250x40xi32, #tpu.memory_space<vmem>> -> memref<1x40xi32, #tpu.memory_space<vmem>>
      %dma_start3A_174 = tpu.memref_squeeze %dma_start3A_173 : memref<1x40xi32, #tpu.memory_space<vmem>> -> memref<40xi32, #tpu.memory_space<vmem>>
      %dma_start3A_175 = arith.constant 0 : i32
      %dma_start3A_176 = arith.constant 0 : i32
      %dma_start3A_177 = tpu.memref_slice %arg16[%dma_start3A_175, %dma_start3A_176] : memref<10000x128xf32, #tpu.memory_space<vmem_shared>> -> memref<10000x128xf32, #tpu.memory_space<vmem_shared>>
      tpu.enqueue_indirect_dma source(%arg12 : memref<40x128xf32, #tpu.memory_space<vmem>>) target(%dma_start3A_177 : memref<10000x128xf32, #tpu.memory_space<vmem_shared>>) offsets(%dma_start3A_174 : memref<40xi32, #tpu.memory_space<vmem>>) semaphore(%arg21 : memref<!tpu.dma_semaphore, #tpu.memory_space<semaphore_mem>>) {add = true}
      %dma_start3A_178 = arith.constant 0 : i32
      %dma_start3A_179 = tpu.memref_slice %arg11[%add3A_165, %dma_start3A_178] : memref<250x40xi32, #tpu.memory_space<vmem>> -> memref<1x40xi32, #tpu.memory_space<vmem>>
      %dma_start3A_180 = tpu.memref_squeeze %dma_start3A_179 : memref<1x40xi32, #tpu.memory_space<vmem>> -> memref<40xi32, #tpu.memory_space<vmem>>
      %dma_start3A_181 = arith.constant 0 : i32
      %dma_start3A_182 = arith.constant 0 : i32
      %dma_start3A_183 = tpu.memref_slice %arg17[%dma_start3A_181, %dma_start3A_182] : memref<10000x16xf32, #tpu.memory_space<vmem_shared>> -> memref<10000x16xf32, #tpu.memory_space<vmem_shared>>
      tpu.enqueue_indirect_dma source(%arg15 : memref<40x16xf32, #tpu.memory_space<vmem>>) target(%dma_start3A_183 : memref<10000x16xf32, #tpu.memory_space<vmem_shared>>) offsets(%dma_start3A_180 : memref<40xi32, #tpu.memory_space<vmem>>) semaphore(%arg24 : memref<!tpu.dma_semaphore, #tpu.memory_space<semaphore_mem>>) {add = true}
      %sub3A_184 = arith.constant 1 : i32
      %sub3A_185 = arith.subi %add3A_165, %sub3A_184 : i32
      %dma_wait3A_186 = arith.constant 0 : i32
      %dma_wait3A_187 = tpu.memref_slice %arg11[%sub3A_185, %dma_wait3A_186] : memref<250x40xi32, #tpu.memory_space<vmem>> -> memref<1x40xi32, #tpu.memory_space<vmem>>
      %dma_wait3A_188 = tpu.memref_squeeze %dma_wait3A_187 : memref<1x40xi32, #tpu.memory_space<vmem>> -> memref<40xi32, #tpu.memory_space<vmem>>
      %dma_wait3A_189 = arith.constant 0 : i32
      %dma_wait3A_190 = arith.constant 0 : i32
      %dma_wait3A_191 = tpu.memref_slice %arg16[%dma_wait3A_189, %dma_wait3A_190] : memref<10000x128xf32, #tpu.memory_space<vmem_shared>> -> memref<10000x128xf32, #tpu.memory_space<vmem_shared>>
      tpu.wait_indirect_dma semaphore(%arg23 : memref<!tpu.dma_semaphore, #tpu.memory_space<semaphore_mem>>) src(%arg14 : memref<40x128xf32, #tpu.memory_space<vmem>>) dst(%dma_wait3A_191 : memref<10000x128xf32, #tpu.memory_space<vmem_shared>>)
      %sub3A_192 = arith.constant 1 : i32
      %sub3A_193 = arith.subi %add3A_165, %sub3A_192 : i32
      %dma_wait3A_194 = arith.constant 0 : i32
      %dma_wait3A_195 = tpu.memref_slice %arg11[%sub3A_193, %dma_wait3A_194] : memref<250x40xi32, #tpu.memory_space<vmem>> -> memref<1x40xi32, #tpu.memory_space<vmem>>
      %dma_wait3A_196 = tpu.memref_squeeze %dma_wait3A_195 : memref<1x40xi32, #tpu.memory_space<vmem>> -> memref<40xi32, #tpu.memory_space<vmem>>
      %dma_wait3A_197 = arith.constant 0 : i32
      %dma_wait3A_198 = arith.constant 0 : i32
      %dma_wait3A_199 = tpu.memref_slice %arg17[%dma_wait3A_197, %dma_wait3A_198] : memref<10000x16xf32, #tpu.memory_space<vmem_shared>> -> memref<10000x16xf32, #tpu.memory_space<vmem_shared>>
      tpu.wait_indirect_dma semaphore(%arg26 : memref<!tpu.dma_semaphore, #tpu.memory_space<semaphore_mem>>) src(%arg15 : memref<40x16xf32, #tpu.memory_space<vmem>>) dst(%dma_wait3A_199 : memref<10000x16xf32, #tpu.memory_space<vmem_shared>>)
      %add3A_200 = arith.constant 2 : i32
      %add3A_201 = arith.addi %add3A_165, %add3A_200 : i32
      %lt3A_202 = arith.constant 250 : i32
      %lt3A_203 = arith.cmpi slt, %add3A_201, %lt3A_202 : i32
      %convert_element_type3A_204 = arith.extui %lt3A_203 : i1 to i32
      %cond3A_205 = arith.constant 0 : i32
      %cond3A_206 = arith.cmpi ne, %convert_element_type3A_204, %cond3A_205 : i32
      scf.if %cond3A_206 {
        %add3A_207 = arith.constant 2 : i32
        %add3A_208 = arith.addi %add3A_165, %add3A_207 : i32
        %dma_start3A_209 = arith.constant 0 : i32
        %dma_start3A_210 = tpu.memref_slice %arg10[%add3A_208, %dma_start3A_209] : memref<250x40xi32, #tpu.memory_space<vmem>> -> memref<1x40xi32, #tpu.memory_space<vmem>>
        %dma_start3A_211 = tpu.memref_squeeze %dma_start3A_210 : memref<1x40xi32, #tpu.memory_space<vmem>> -> memref<40xi32, #tpu.memory_space<vmem>>
        %dma_start3A_212 = arith.constant 0 : i32
        %dma_start3A_213 = arith.constant 0 : i32
        %dma_start3A_214 = tpu.memref_slice %arg2[%dma_start3A_212, %dma_start3A_213] : memref<10000x128xf32, #tpu.memory_space<hbm>> -> memref<10000x128xf32, #tpu.memory_space<hbm>>
        tpu.enqueue_indirect_dma source(%dma_start3A_214 : memref<10000x128xf32, #tpu.memory_space<hbm>>) target(%arg14 : memref<40x128xf32, #tpu.memory_space<vmem>>) offsets(%dma_start3A_211 : memref<40xi32, #tpu.memory_space<vmem>>) semaphore(%arg20 : memref<!tpu.dma_semaphore, #tpu.memory_space<semaphore_mem>>)
      } else {
      }
    }
    %scan3A_50 = arith.constant 83 : i32
    %dma_wait3A_51 = arith.constant 249 : i32
    %dma_wait3A_52 = arith.constant 0 : i32
    %dma_wait3A_53 = tpu.memref_slice %arg11[%dma_wait3A_51, %dma_wait3A_52] : memref<250x40xi32, #tpu.memory_space<vmem>> -> memref<1x40xi32, #tpu.memory_space<vmem>>
    %dma_wait3A_54 = tpu.memref_squeeze %dma_wait3A_53 : memref<1x40xi32, #tpu.memory_space<vmem>> -> memref<40xi32, #tpu.memory_space<vmem>>
    %dma_wait3A_55 = arith.constant 0 : i32
    %dma_wait3A_56 = arith.constant 0 : i32
    %dma_wait3A_57 = tpu.memref_slice %arg16[%dma_wait3A_55, %dma_wait3A_56] : memref<10000x128xf32, #tpu.memory_space<vmem_shared>> -> memref<10000x128xf32, #tpu.memory_space<vmem_shared>>
    tpu.wait_indirect_dma semaphore(%arg21 : memref<!tpu.dma_semaphore, #tpu.memory_space<semaphore_mem>>) src(%arg12 : memref<40x128xf32, #tpu.memory_space<vmem>>) dst(%dma_wait3A_57 : memref<10000x128xf32, #tpu.memory_space<vmem_shared>>)
    %dma_wait3A_58 = arith.constant 249 : i32
    %dma_wait3A_59 = arith.constant 0 : i32
    %dma_wait3A_60 = tpu.memref_slice %arg11[%dma_wait3A_58, %dma_wait3A_59] : memref<250x40xi32, #tpu.memory_space<vmem>> -> memref<1x40xi32, #tpu.memory_space<vmem>>
    %dma_wait3A_61 = tpu.memref_squeeze %dma_wait3A_60 : memref<1x40xi32, #tpu.memory_space<vmem>> -> memref<40xi32, #tpu.memory_space<vmem>>
    %dma_wait3A_62 = arith.constant 0 : i32
    %dma_wait3A_63 = arith.constant 0 : i32
    %dma_wait3A_64 = tpu.memref_slice %arg17[%dma_wait3A_62, %dma_wait3A_63] : memref<10000x16xf32, #tpu.memory_space<vmem_shared>> -> memref<10000x16xf32, #tpu.memory_space<vmem_shared>>
    tpu.wait_indirect_dma semaphore(%arg24 : memref<!tpu.dma_semaphore, #tpu.memory_space<semaphore_mem>>) src(%arg15 : memref<40x16xf32, #tpu.memory_space<vmem>>) dst(%dma_wait3A_64 : memref<10000x16xf32, #tpu.memory_space<vmem_shared>>)
    %barrier3A_65 = arith.constant 0 : index
    tpu.barrier barrier_id(%barrier3A_65)
    %lt3A_66 = arith.constant 15 : i32
    %lt3A_67 = arith.cmpi slt, %arg1, %lt3A_66 : i32
    %convert_element_type3A_68 = arith.extui %lt3A_67 : i1 to i32
    %cond3A_69 = arith.constant 0 : i32
    %cond3A_70 = arith.cmpi ne, %convert_element_type3A_68, %cond3A_69 : i32
    scf.if %cond3A_70 {
      %mul3A_76 = arith.constant 640 : i32
      %mul3A_77 = arith.muli %arg1, %mul3A_76 : i32
      %mul3A_78 = arith.constant 640 : i32
      %mul3A_79 = arith.muli %arg1, %mul3A_78 : i32
      "tpu.region"() ({
        %run_scoped3A = tpu.sem_alloc : memref<!tpu.dma_semaphore, #tpu.memory_space<semaphore_mem>>
        %dma_start3A_84 = arith.constant 0 : i32
        %dma_start3A_85 = tpu.memref_slice %arg8[%arg0, %mul3A_79, %dma_start3A_84] : memref<2x10000x128xf32, #tpu.memory_space<hbm>> -> memref<1x640x128xf32, #tpu.memory_space<hbm>>
        %dma_start3A_86 = tpu.memref_squeeze %dma_start3A_85 : memref<1x640x128xf32, #tpu.memory_space<hbm>> -> memref<640x128xf32, #tpu.memory_space<hbm>>
        %dma_start3A_87 = arith.constant 0 : i32
        %dma_start3A_88 = tpu.memref_slice %arg16[%mul3A_77, %dma_start3A_87] : memref<10000x128xf32, #tpu.memory_space<vmem_shared>> -> memref<640x128xf32, #tpu.memory_space<vmem_shared>>
        tpu.enqueue_dma source(%dma_start3A_88 : memref<640x128xf32, #tpu.memory_space<vmem_shared>>) target(%dma_start3A_86 : memref<640x128xf32, #tpu.memory_space<hbm>>) target_semaphore(%run_scoped3A : memref<!tpu.dma_semaphore, #tpu.memory_space<semaphore_mem>>)
        %dma_wait3A_89 = arith.constant 0 : i32
        %dma_wait3A_90 = tpu.memref_slice %arg8[%arg0, %mul3A_79, %dma_wait3A_89] : memref<2x10000x128xf32, #tpu.memory_space<hbm>> -> memref<1x640x128xf32, #tpu.memory_space<hbm>>
        %dma_wait3A_91 = tpu.memref_squeeze %dma_wait3A_90 : memref<1x640x128xf32, #tpu.memory_space<hbm>> -> memref<640x128xf32, #tpu.memory_space<hbm>>
        %dma_wait3A_92 = arith.constant 0 : i32
        %dma_wait3A_93 = tpu.memref_slice %arg16[%mul3A_77, %dma_wait3A_92] : memref<10000x128xf32, #tpu.memory_space<vmem_shared>> -> memref<640x128xf32, #tpu.memory_space<vmem_shared>>
        tpu.wait_dma2 semaphore(%run_scoped3A : memref<!tpu.dma_semaphore, #tpu.memory_space<semaphore_mem>>) src(%dma_wait3A_93 : memref<640x128xf32, #tpu.memory_space<vmem_shared>>) dst(%dma_wait3A_91 : memref<640x128xf32, #tpu.memory_space<hbm>>)
        tpu.yield
      }) : () -> ()
      %mul3A_80 = arith.constant 640 : i32
      %mul3A_81 = arith.muli %arg1, %mul3A_80 : i32
      %mul3A_82 = arith.constant 640 : i32
      %mul3A_83 = arith.muli %arg1, %mul3A_82 : i32
      "tpu.region"() ({
        %run_scoped3A = tpu.sem_alloc : memref<!tpu.dma_semaphore, #tpu.memory_space<semaphore_mem>>
        %dma_start3A_84 = arith.constant 0 : i32
        %dma_start3A_85 = tpu.memref_slice %arg9[%arg0, %mul3A_83, %dma_start3A_84] : memref<2x10000x16xf32, #tpu.memory_space<hbm>> -> memref<1x640x16xf32, #tpu.memory_space<hbm>>
        %dma_start3A_86 = tpu.memref_squeeze %dma_start3A_85 : memref<1x640x16xf32, #tpu.memory_space<hbm>> -> memref<640x16xf32, #tpu.memory_space<hbm>>
        %dma_start3A_87 = arith.constant 0 : i32
        %dma_start3A_88 = tpu.memref_slice %arg17[%mul3A_81, %dma_start3A_87] : memref<10000x16xf32, #tpu.memory_space<vmem_shared>> -> memref<640x16xf32, #tpu.memory_space<vmem_shared>>
        tpu.enqueue_dma source(%dma_start3A_88 : memref<640x16xf32, #tpu.memory_space<vmem_shared>>) target(%dma_start3A_86 : memref<640x16xf32, #tpu.memory_space<hbm>>) target_semaphore(%run_scoped3A : memref<!tpu.dma_semaphore, #tpu.memory_space<semaphore_mem>>)
        %dma_wait3A_89 = arith.constant 0 : i32
        %dma_wait3A_90 = tpu.memref_slice %arg9[%arg0, %mul3A_83, %dma_wait3A_89] : memref<2x10000x16xf32, #tpu.memory_space<hbm>> -> memref<1x640x16xf32, #tpu.memory_space<hbm>>
        %dma_wait3A_91 = tpu.memref_squeeze %dma_wait3A_90 : memref<1x640x16xf32, #tpu.memory_space<hbm>> -> memref<640x16xf32, #tpu.memory_space<hbm>>
        %dma_wait3A_92 = arith.constant 0 : i32
        %dma_wait3A_93 = tpu.memref_slice %arg17[%mul3A_81, %dma_wait3A_92] : memref<10000x16xf32, #tpu.memory_space<vmem_shared>> -> memref<640x16xf32, #tpu.memory_space<vmem_shared>>
        tpu.wait_dma2 semaphore(%run_scoped3A : memref<!tpu.dma_semaphore, #tpu.memory_space<semaphore_mem>>) src(%dma_wait3A_93 : memref<640x16xf32, #tpu.memory_space<vmem_shared>>) dst(%dma_wait3A_91 : memref<640x16xf32, #tpu.memory_space<hbm>>)
        tpu.yield
      }) : () -> ()
    } else {
    }
    %eq3A_71 = arith.constant 15 : i32
    %eq3A_72 = arith.cmpi eq, %arg1, %eq3A_71 : i32
    %convert_element_type3A_73 = arith.extui %eq3A_72 : i1 to i32
    %cond3A_74 = arith.constant 0 : i32
    %cond3A_75 = arith.cmpi ne, %convert_element_type3A_73, %cond3A_74 : i32
    scf.if %cond3A_75 {
      "tpu.region"() ({
        %run_scoped3A = tpu.sem_alloc : memref<!tpu.dma_semaphore, #tpu.memory_space<semaphore_mem>>
        %dma_start3A_76 = arith.constant 9600 : i32
        %dma_start3A_77 = arith.constant 0 : i32
        %dma_start3A_78 = tpu.memref_slice %arg8[%arg0, %dma_start3A_76, %dma_start3A_77] : memref<2x10000x128xf32, #tpu.memory_space<hbm>> -> memref<1x400x128xf32, #tpu.memory_space<hbm>>
        %dma_start3A_79 = tpu.memref_squeeze %dma_start3A_78 : memref<1x400x128xf32, #tpu.memory_space<hbm>> -> memref<400x128xf32, #tpu.memory_space<hbm>>
        %dma_start3A_80 = arith.constant 9600 : i32
        %dma_start3A_81 = arith.constant 0 : i32
        %dma_start3A_82 = tpu.memref_slice %arg16[%dma_start3A_80, %dma_start3A_81] : memref<10000x128xf32, #tpu.memory_space<vmem_shared>> -> memref<400x128xf32, #tpu.memory_space<vmem_shared>>
        tpu.enqueue_dma source(%dma_start3A_82 : memref<400x128xf32, #tpu.memory_space<vmem_shared>>) target(%dma_start3A_79 : memref<400x128xf32, #tpu.memory_space<hbm>>) target_semaphore(%run_scoped3A : memref<!tpu.dma_semaphore, #tpu.memory_space<semaphore_mem>>)
        %dma_wait3A_83 = arith.constant 9600 : i32
        %dma_wait3A_84 = arith.constant 0 : i32
        %dma_wait3A_85 = tpu.memref_slice %arg8[%arg0, %dma_wait3A_83, %dma_wait3A_84] : memref<2x10000x128xf32, #tpu.memory_space<hbm>> -> memref<1x400x128xf32, #tpu.memory_space<hbm>>
        %dma_wait3A_86 = tpu.memref_squeeze %dma_wait3A_85 : memref<1x400x128xf32, #tpu.memory_space<hbm>> -> memref<400x128xf32, #tpu.memory_space<hbm>>
        %dma_wait3A_87 = arith.constant 9600 : i32
        %dma_wait3A_88 = arith.constant 0 : i32
        %dma_wait3A_89 = tpu.memref_slice %arg16[%dma_wait3A_87, %dma_wait3A_88] : memref<10000x128xf32, #tpu.memory_space<vmem_shared>> -> memref<400x128xf32, #tpu.memory_space<vmem_shared>>
        tpu.wait_dma2 semaphore(%run_scoped3A : memref<!tpu.dma_semaphore, #tpu.memory_space<semaphore_mem>>) src(%dma_wait3A_89 : memref<400x128xf32, #tpu.memory_space<vmem_shared>>) dst(%dma_wait3A_86 : memref<400x128xf32, #tpu.memory_space<hbm>>)
        tpu.yield
      }) : () -> ()
      "tpu.region"() ({
        %run_scoped3A = tpu.sem_alloc : memref<!tpu.dma_semaphore, #tpu.memory_space<semaphore_mem>>
        %dma_start3A_76 = arith.constant 9600 : i32
        %dma_start3A_77 = arith.constant 0 : i32
        %dma_start3A_78 = tpu.memref_slice %arg9[%arg0, %dma_start3A_76, %dma_start3A_77] : memref<2x10000x16xf32, #tpu.memory_space<hbm>> -> memref<1x400x16xf32, #tpu.memory_space<hbm>>
        %dma_start3A_79 = tpu.memref_squeeze %dma_start3A_78 : memref<1x400x16xf32, #tpu.memory_space<hbm>> -> memref<400x16xf32, #tpu.memory_space<hbm>>
        %dma_start3A_80 = arith.constant 9600 : i32
        %dma_start3A_81 = arith.constant 0 : i32
        %dma_start3A_82 = tpu.memref_slice %arg17[%dma_start3A_80, %dma_start3A_81] : memref<10000x16xf32, #tpu.memory_space<vmem_shared>> -> memref<400x16xf32, #tpu.memory_space<vmem_shared>>
        tpu.enqueue_dma source(%dma_start3A_82 : memref<400x16xf32, #tpu.memory_space<vmem_shared>>) target(%dma_start3A_79 : memref<400x16xf32, #tpu.memory_space<hbm>>) target_semaphore(%run_scoped3A : memref<!tpu.dma_semaphore, #tpu.memory_space<semaphore_mem>>)
        %dma_wait3A_83 = arith.constant 9600 : i32
        %dma_wait3A_84 = arith.constant 0 : i32
        %dma_wait3A_85 = tpu.memref_slice %arg9[%arg0, %dma_wait3A_83, %dma_wait3A_84] : memref<2x10000x16xf32, #tpu.memory_space<hbm>> -> memref<1x400x16xf32, #tpu.memory_space<hbm>>
        %dma_wait3A_86 = tpu.memref_squeeze %dma_wait3A_85 : memref<1x400x16xf32, #tpu.memory_space<hbm>> -> memref<400x16xf32, #tpu.memory_space<hbm>>
        %dma_wait3A_87 = arith.constant 9600 : i32
        %dma_wait3A_88 = arith.constant 0 : i32
        %dma_wait3A_89 = tpu.memref_slice %arg17[%dma_wait3A_87, %dma_wait3A_88] : memref<10000x16xf32, #tpu.memory_space<vmem_shared>> -> memref<400x16xf32, #tpu.memory_space<vmem_shared>>
        tpu.wait_dma2 semaphore(%run_scoped3A : memref<!tpu.dma_semaphore, #tpu.memory_space<semaphore_mem>>) src(%dma_wait3A_89 : memref<400x16xf32, #tpu.memory_space<vmem_shared>>) dst(%dma_wait3A_86 : memref<400x16xf32, #tpu.memory_space<hbm>>)
        tpu.yield
      }) : () -> ()
    } else {
    }
    return
  }
}

module attributes {stable_mosaic.version = 14 : i64} {
  func.func @body(%arg0: i32, %arg1: memref<2x1000x128xf32, #tpu.memory_space<vmem>>, %arg2: memref<2x1000x16xf32, #tpu.memory_space<vmem>>, %arg3: memref<1000x128xf32, #tpu.memory_space<vmem>>, %arg4: memref<128x128xf32, #tpu.memory_space<vmem>>, %arg5: memref<128x128xf32, #tpu.memory_space<vmem>>, %arg6: memref<1000x128xf32, #tpu.memory_space<vmem>>) attributes {dimension_semantics = [#tpu.dimension_semantics<arbitrary>], iteration_bounds = array<i64: 10>, scalar_prefetch = 0 : i64, scratch_operands = 0 : i64, tpu.core_type = #tpu.core_type<tc>, window_params = [{transform_indices = @transform_0, window_bounds = array<i64: 2, 1000, 128>}, {transform_indices = @transform_1, window_bounds = array<i64: 2, 1000, 16>}, {transform_indices = @transform_2, window_bounds = array<i64: 1000, 128>}, {pipeline_mode = #tpu.pipeline_mode<synchronous>, transform_indices = @transform_3, window_bounds = array<i64: 128, 128>}, {pipeline_mode = #tpu.pipeline_mode<synchronous>, transform_indices = @transform_4, window_bounds = array<i64: 128, 128>}, {transform_indices = @transform_5, window_bounds = array<i64: 1000, 128>}]} {
    %get3A = arith.constant 0 : index
    %get3A_0 = arith.constant 0 : index
    %get3A_1 = arith.constant 0 : index
    %get3A_2 = vector.load %arg1[%get3A, %get3A_0, %get3A_1] : memref<2x1000x128xf32, #tpu.memory_space<vmem>>, vector<1x1000x128xf32>
    %get3A_3 = vector.shape_cast %get3A_2 : vector<1x1000x128xf32> to vector<1000x128xf32>
    %get3A_4 = arith.constant 1 : index
    %get3A_5 = arith.constant 0 : index
    %get3A_6 = arith.constant 0 : index
    %get3A_7 = vector.load %arg1[%get3A_4, %get3A_5, %get3A_6] : memref<2x1000x128xf32, #tpu.memory_space<vmem>>, vector<1x1000x128xf32>
    %get3A_8 = vector.shape_cast %get3A_7 : vector<1x1000x128xf32> to vector<1000x128xf32>
    %add3A = arith.addf %get3A_3, %get3A_8 : vector<1000x128xf32>
    %get3A_9 = arith.constant 0 : index
    %get3A_10 = arith.constant 0 : index
    %get3A_11 = arith.constant 0 : index
    %get3A_12 = vector.load %arg2[%get3A_9, %get3A_10, %get3A_11] : memref<2x1000x16xf32, #tpu.memory_space<vmem>>, vector<1x1000x1xf32>
    %get3A_13 = vector.shape_cast %get3A_12 : vector<1x1000x1xf32> to vector<1000x1xf32>
    %get3A_14 = arith.constant 1 : index
    %get3A_15 = arith.constant 0 : index
    %get3A_16 = arith.constant 0 : index
    %get3A_17 = vector.load %arg2[%get3A_14, %get3A_15, %get3A_16] : memref<2x1000x16xf32, #tpu.memory_space<vmem>>, vector<1x1000x1xf32>
    %get3A_18 = vector.shape_cast %get3A_17 : vector<1x1000x1xf32> to vector<1000x1xf32>
    %add3A_19 = arith.addf %get3A_13, %get3A_18 : vector<1000x1xf32>
    %get3A_20 = arith.constant 0 : index
    %get3A_21 = arith.constant 0 : index
    %get3A_22 = vector.load %arg4[%get3A_20, %get3A_21] : memref<128x128xf32, #tpu.memory_space<vmem>>, vector<128x128xf32>
    %dot_general3A = arith.constant dense<0.000000e+00> : vector<1000x128xf32>
    %dot_general3A_23 = tpu.matmul %add3A, %get3A_22, %dot_general3A {dimension_numbers = #tpu.dot_dimension_numbers<[1], [0], [0], [1], [0, 0, 1, 1], [], []>, transpose_lhs_hint = false} : vector<1000x128xf32>, vector<128x128xf32>, vector<1000x128xf32> -> vector<1000x128xf32>
    %get3A_24 = arith.constant 0 : index
    %get3A_25 = arith.constant 0 : index
    %get3A_26 = vector.load %arg3[%get3A_24, %get3A_25] : memref<1000x128xf32, #tpu.memory_space<vmem>>, vector<1000x128xf32>
    %get3A_27 = arith.constant 0 : index
    %get3A_28 = arith.constant 0 : index
    %get3A_29 = vector.load %arg5[%get3A_27, %get3A_28] : memref<128x128xf32, #tpu.memory_space<vmem>>, vector<128x128xf32>
    %dot_general3A_30 = arith.constant dense<0.000000e+00> : vector<1000x128xf32>
    %dot_general3A_31 = tpu.matmul %get3A_26, %get3A_29, %dot_general3A_30 {dimension_numbers = #tpu.dot_dimension_numbers<[1], [0], [0], [1], [0, 0, 1, 1], [], []>, transpose_lhs_hint = false} : vector<1000x128xf32>, vector<128x128xf32>, vector<1000x128xf32> -> vector<1000x128xf32>
    %mul3A = vector.broadcast %add3A_19 : vector<1000x1xf32> to vector<1000x128xf32>
    %mul3A_32 = arith.mulf %mul3A, %dot_general3A_31 : vector<1000x128xf32>
    %add3A_33 = arith.addf %dot_general3A_23, %mul3A_32 : vector<1000x128xf32>
    %swap3A = arith.constant 0 : index
    %swap3A_34 = arith.constant 0 : index
    %swap3A_35 = vector.load %arg6[%swap3A, %swap3A_34] : memref<1000x128xf32, #tpu.memory_space<vmem>>, vector<1000x128xf32>
    tpu.vector_store %arg6[%swap3A, %swap3A_34], %add3A_33 {strides = array<i32>} : memref<1000x128xf32, #tpu.memory_space<vmem>>, vector<1000x128xf32>,
    return
  }
  func.func @transform_0(%arg0: i32) -> (i32, i32, i32) {
    %c0_i32 = arith.constant 0 : i32
    %c0_i32_0 = arith.constant 0 : i32
    %c0_i32_1 = arith.constant 0 : i32
    return %c0_i32, %arg0, %c0_i32_0 : i32, i32, i32
  }
  func.func @transform_1(%arg0: i32) -> (i32, i32, i32) {
    %c0_i32 = arith.constant 0 : i32
    %c0_i32_0 = arith.constant 0 : i32
    %c0_i32_1 = arith.constant 0 : i32
    return %c0_i32, %arg0, %c0_i32_0 : i32, i32, i32
  }
  func.func @transform_2(%arg0: i32) -> (i32, i32) {
    %c0_i32 = arith.constant 0 : i32
    %c0_i32_0 = arith.constant 0 : i32
    return %arg0, %c0_i32 : i32, i32
  }
  func.func @transform_3(%arg0: i32) -> (i32, i32) {
    %c0_i32 = arith.constant 0 : i32
    %c0_i32_0 = arith.constant 0 : i32
    %c0_i32_1 = arith.constant 0 : i32
    return %c0_i32, %c0_i32_0 : i32, i32
  }
  func.func @transform_4(%arg0: i32) -> (i32, i32) {
    %c0_i32 = arith.constant 0 : i32
    %c0_i32_0 = arith.constant 0 : i32
    %c0_i32_1 = arith.constant 0 : i32
    return %c0_i32, %c0_i32_0 : i32, i32
  }
  func.func @transform_5(%arg0: i32) -> (i32, i32) {
    %c0_i32 = arith.constant 0 : i32
    %c0_i32_0 = arith.constant 0 : i32
    return %arg0, %c0_i32 : i32, i32
  }
}

</mosaic_0001>

<sc_bundles>
// kernel: kernel.4.cloned.1.call-start
scs
__scs_entry_jumppad:
0x0: {  	(pc) =	sbr.rel $0x88, $3  }
0x1: {  	(tag) =	ssettag $0x0;
	lr =	simm.s32 $0x1  }
0x2: {  	[smem:$0x3F9D] =	sst lr;
	_ =	strace $0xD0000000  }
0x3: {  	_ = 	snop  }
0x4: {  	_ = 	snop  }
0x5: {  	_ = 	snop  }
0x6: {  	_ = 	snop  }
0x7: {  	_ = 	snop  }
__scs_overlays_trampoline_lowered:
0x8: {  	[smem:$0x3FAC] =	sst s0  }
0x9: {  	[smem:$0x3FAD] =	sst s1  }
0xa: {  	[smem:$0x3FAE] =	sst s2  }
0xb: {  	[smem:$0x3FAF] =	sst s3  }
0xc: {  	[smem:$0x3FB0] =	sst s4  }
0xd: {  	[smem:$0x3FB1] =	sst s5  }
0xe: {  	[smem:$0x3FB2] =	sst s6  }
0xf: {  	[smem:$0x3FB3] =	sst s7  }
0x10: {  	[smem:$0x3FB4] =	sst s8  }
0x11: {  	[smem:$0x3FB5] =	sst s9;
	s0 =	simm.s32 @!p0 $0x0  }
0x12: {  	s1 =	sld [smem:$0x3F9B];
	s0 =	simm.s32 @p0 $0x1  }
0x13: {  	[smem:$0x3FB6] =	sst s0;
	s0 =	simm.s32 @!p1 $0x0  }
0x14: {  	s2 =	sld [smem:$0x3F9A];
	s0 =	simm.s32 @p1 $0x1  }
0x15: {  	[smem:$0x3FB7] =	sst s0;
	s0 =	simm.s32 @!p2 $0x0  }
0x16: {  	s3 =	sld [smem:$0x3FDB];
	s0 =	simm.s32 @p2 $0x1  }
0x17: {  	s4 =	simm.s32 $0x1BF5;
	[smem:$0x3FB9] =	sst s0  }
0x18: {  	s0 =	sld [smem:$0x3F9C];
	_ =	swait.ge [sflag:s4], $0x0  }
0x19: {  	s7 =	sld [smem:$0x3F9D]  }
0x1a: {  	s8 =	sadd.s32 $0xFFFFE003, lr  }
0x1b: {  	s9 =	sadd.s32 $0xFFFFFEF7, lr;
	s5 =	simm.s32 $0xFFFFFFFF;
	p2 =	slt.u32 s8, $0xFFFFF086  }
0x1c: {  	p1 =	slt.u32 s9, $0xF7A;
	s5 =	simm.s32 @!p2 $0x0  }
0x1d: {  	s5 =	simm.s32 @p1 $0x1;
	p0 =	seq.s32 s7, s2  }
0x1e: {  	s7 =	smul.u32 @!p0 $0xF7A, s2;
	p2 =	seq.s32 @!p0 s5, $0x0  }
0x1f: {  	s9 =	smul.u32 $0xF7A, s1;
	s8 =	simm.s32 @!p0 $0x1BF5;
	p2 =	por !p2, p0  }
0x20: {  	[sflag:s8] =	ssyncset.s32 @!p0 $0xFFFFF086;
	s6 =	sadd.s32 @!p0 s3, s7;
	s7 =	simm.s32 @!p0 $0x108  }
0x21: {  	s3 =	sadd.s32 s3, s9;
	s6 =	sadd.s32 @!p0 $0x88, s6;
	s7 =	simm.s32 @p2 $0x1082  }
0x22: {  	[simem:s7], [sflag:s8] =	dma.local @!p0 [hbm:s6], $0xF7A  }
0x23: {  	s9 =	sor.u32 $0xD0000000, s2;
	s6 =	simm.s32 $0x108;
	_ =	swait.ge @!p0 [sflag:s8], $0x0  }
0x24: {  	s3 =	sadd.s32 $0x88, s3;
	s6 =	simm.s32 @!p1 $0x1082;
	[sflag:s4] =	ssyncset.s32 $0xFFFFF086  }
0x25: {  	[simem:s6], [sflag:s4] =	dma.local [hbm:s3], $0xF7A  }
0x26: {  	[smem:$0x3F9D] =	sst s1;
	(tag) =	ssettag s2;
	_ =	strace s9  }
0x27: {  	s1 =	sld [smem:$0x3FAD]  }
0x28: {  	s2 =	sld [smem:$0x3FAE]  }
0x29: {  	s4 =	sld [smem:$0x3FB0]  }
0x2a: {  	p0 =	seq.s32 s5, $0x0;
	s5 =	sld [smem:$0x3FB1]  }
0x2b: {  	s6 =	sld [smem:$0x3FB2]  }
0x2c: {  	s7 =	sld [smem:$0x3FB3]  }
0x2d: {  	s3 =	simm.s32 $0x108;
	s8 =	sld [smem:$0x3FB4]  }
0x2e: {  	s3 =	simm.s32 @!p0 $0x1082;
	s9 =	sld [smem:$0x3FB5]  }
0x2f: {  	lr =	sadd.s32 s0, s3;
	s0 =	sld [smem:$0x3FAC]  }
0x30: {  	s3 =	sld [smem:$0x3FAF]  }
0x31: {  	[smem:$0x3FB8] =	sst s10  }
0x32: {  	s10 =	sld [smem:$0x3FB6];
	_ =	sdelay $0x3  }
0x33: {  	p0 =	seq.s32 s10, $0x1;
	s10 =	sld [smem:$0x3FB8];
	_ =	sdelay $0x3  }
0x34: {  	[smem:$0x3FB8] =	sst s10  }
0x35: {  	s10 =	sld [smem:$0x3FB7];
	_ =	sdelay $0x3  }
0x36: {  	p1 =	seq.s32 s10, $0x1;
	s10 =	sld [smem:$0x3FB8];
	_ =	sdelay $0x3  }
0x37: {  	[smem:$0x3FB8] =	sst s10  }
0x38: {  	s10 =	sld [smem:$0x3FB9]  }
0x39: {  	_ = 	snop;
	(pc) =	sbr.ind lr, $3  }
0x3a: {  	_ = 	snop  }
0x3b: {  	_ = 	snop  }
0x3c: {  	p2 =	seq.s32 s10, $0x1;
	s10 =	sld [smem:$0x3FB8]  }
0x3d: {  	_ =	shalt  }
0x3e: {  	_ =	shalt  }
0x3f: {  	_ =	shalt  }
0x40: {  	_ =	shalt  }
0x41: {  	_ =	shalt  }
0x42: {  	_ =	shalt  }
0x43: {  	_ =	shalt  }
0x44: {  	_ =	shalt  }
0x45: {  	_ =	shalt  }
0x46: {  	_ =	shalt  }
0x47: {  	_ =	shalt  }
0x48: {  	_ =	shalt  }
0x49: {  	_ =	shalt  }
0x4a: {  	_ =	shalt  }
0x4b: {  	_ =	shalt  }
0x4c: {  	_ =	shalt  }
0x4d: {  	_ =	shalt  }
0x4e: {  	_ =	shalt  }
0x4f: {  	_ =	shalt  }
0x50: {  	_ =	shalt  }
0x51: {  	_ =	shalt  }
0x52: {  	_ =	shalt  }
0x53: {  	_ =	shalt  }
0x54: {  	_ =	shalt  }
0x55: {  	_ =	shalt  }
0x56: {  	_ =	shalt  }
0x57: {  	_ =	shalt  }
0x58: {  	_ =	shalt  }
0x59: {  	_ =	shalt  }
0x5a: {  	_ =	shalt  }
0x5b: {  	_ =	shalt  }
0x5c: {  	_ =	shalt  }
0x5d: {  	_ =	shalt  }
0x5e: {  	_ =	shalt  }
0x5f: {  	_ =	shalt  }
0x60: {  	_ =	shalt  }
0x61: {  	_ =	shalt  }
0x62: {  	_ =	shalt  }
0x63: {  	_ =	shalt  }
0x64: {  	_ =	shalt  }
0x65: {  	_ =	shalt  }
0x66: {  	_ =	shalt  }
0x67: {  	_ =	shalt  }
0x68: {  	_ =	shalt  }
0x69: {  	_ =	shalt  }
0x6a: {  	_ =	shalt  }
0x6b: {  	_ =	shalt  }
0x6c: {  	_ =	shalt  }
0x6d: {  	_ =	shalt  }
0x6e: {  	_ =	shalt  }
0x6f: {  	_ =	shalt  }
0x70: {  	_ =	shalt  }
0x71: {  	_ =	shalt  }
0x72: {  	_ =	shalt  }
0x73: {  	_ =	shalt  }
0x74: {  	_ =	shalt  }
0x75: {  	_ =	shalt  }
0x76: {  	_ =	shalt  }
0x77: {  	_ =	shalt  }
0x78: {  	_ =	shalt  }
0x79: {  	_ =	shalt  }
0x7a: {  	_ =	shalt  }
0x7b: {  	_ =	shalt  }
0x7c: {  	_ =	shalt  }
0x7d: {  	_ =	shalt  }
0x7e: {  	_ =	shalt  }
0x7f: {  	_ =	shalt  }
0x80: {  	_ =	shalt  }
0x81: {  	_ =	shalt  }
0x82: {  	_ =	shalt  }
0x83: {  	_ =	shalt  }
0x84: {  	_ =	shalt  }
0x85: {  	_ =	shalt  }
0x86: {  	_ =	shalt  }
0x87: {  	_ =	shalt  }
.Lfunc_end0:
.L_simem_size_0:
called_computation_lowered:
.L_overlay_start_0:
0x88: {  	s2 =	sld [smem:$0x3FD9]  }
0x89: {  	s3 =	sld [smem:$0x3FFE];
	_ =	sdelay $0x1  }
0x8a: {  	s1 =	srdreg.scid  }
0x8b: {  	s0 =	sand.u32 $0x1, s1  }
0x8c: {  	s17 =	sshll.u32 s0, $0xA;
	s2 =	sadd.s32 s3, s2  }
0x8d: {  	s2 =	sadd.s32 s2, s17  }
0x8e: {  	[smem:$0x3FC4] =	sst s2  }
0x8f: {  	_ = 	snop  }
0x90: {  	s2 =	sld [smem:$0x3FC9]  }
0x91: {  	s18 =	sld [smem:$0x3FD0];
	(tm) =	ssettm $0x1  }
0x92: {  	s4 =	sld [smem:$0x3FFB];
	_ =	sdelay $0x3  }
0x93: {  	_ =	strace s4  }
0x94: {  	s4 =	sld [smem:$0x3FFC];
	_ =	sdelay $0x3  }
0x95: {  	_ =	strace s4  }
0x96: {  	s4 =	sld [smem:$0x3FFD];
	_ =	sdelay $0x3  }
0x97: {  	_ =	strace s4  }
0x98: {  	_ =	strace $0x8FFFFFFF  }
0x99: {  	s19 =	sld [smem:$0x3FDB];
	_ =	sdelay $0x1  }
0x9a: {  	s5 =	simm.s32 $_scs_section_size  }
0x9b: {  	s6 =	simm.s32 $_size__tile_overlayer_lowered;
	s7 =	simm.s32 $_tile_overlayer_lowered  }
0x9c: {  	s22 =	simm.s32 $0x1BFF;
	s21 =	sshll.u32 s7, $0x1;
	s4 =	sadd.s32 s5, s19  }
0x9d: {  	s8 =	simm.s32 $0x0;
	s20 =	sshll.u32 s6, $0x1;
	s6 =	sadd.s32 s21, s4  }
0x9e: {  	[timem:s8], [sflag:s22] =	dma.local [hbm:s6], s20  }
0x9f: {  	_ =	swait.ge [sflag:s22], s20  }
0xa0: {  	s5 =	ssub.s32 $0x0, s20;
	[sflag:s22] =	ssyncset.done $0x0  }
0xa1: {  	[sflag:s22] =	ssyncadd.s32 s5;
	_ =	sdelay $0x1  }
0xa2: {  	s23 =	simm.s32 $0x1B8B  }
0xa3: {  	_ =	swait.ge [sflag:s23], $0x1  }
0xa4: {  	[sflag:s23] =	ssyncset.done $0x0  }
0xa5: {  	s25 =	simm.s32 $0x1B8E;
	s24 =	sld [smem:$0x3FFE];
	[sflag:s23] =	ssyncadd.s32 $0xFFFFFFFF  }
0xa6: {  	s26 =	simm.s32 $execute0_lowered;
	[smem:$0x3FD2] =	sst s25  }
0xa7: {  	s6 =	sshll.u32 s26, $0x1;
	_ =	strace $0x80000046;
	[dreg:$0x1] =	wrdreg $0xFFFFFFFF  }
0xa8: {  	s28 =	simm.s32 $_size_execute0_lowered;
	s4 =	sadd.s32 s4, s6;
	[dreg:$0x0] =	wrdreg $0x0  }
0xa9: {  	s6 =	sshll.u32 s28, $0x1;
	[dreg:$0x2] =	wrdreg s4  }
0xaa: {  	[dreg:$0x3] =	wrdreg s6  }
0xab: {  	[dreg:$0x4] =	wrdreg $0xC0  }
0xac: {  	_ =	task [dreg:s8], $0x5FFFF  }
0xad: {  	[dreg:$0x1] =	wrdreg $0xFFFFFFFF  }
0xae: {  	[dreg:$0x0] =	wrdreg $0x60  }
0xaf: {  	[dreg:$0x2] =	wrdreg s2  }
0xb0: {  	[dreg:$0x3] =	wrdreg s24  }
0xb1: {  	[dreg:$0x4] =	wrdreg s18  }
0xb2: {  	[dreg:$0x5] =	wrdreg $0x8CA00  }
0xb3: {  	[dreg:$0x6] =	wrdreg $0x1C5200  }
0xb4: {  	[dreg:$0x7] =	wrdreg $0x9  }
0xb5: {  	_ =	task.clear_ibuf [dreg:s8], $0x8FFFF;
	_ =	strace $0x90000046  }
0xb6: {  	s29 =	simm.s32 $0x9;
	_ =	strace $0x80000048  }
0xb7: {  	_ =	swait.ge [sflag:s29], $0x1  }
0xb8: {  	[sflag:s29] =	ssyncadd.s32 $0xFFFFFFFF  }
0xb9: {  	_ =	strace $0x90000048  }
0xba: {  	_ =	sfence  }
0xbb: {  	s30 =	sld [smem:$0x0];
	_ =	sdelay $0x2  }
0xbc: {  	s31 =	sshll.u32 s1, $0xD;
	s1 =	sshrl.u32 s1, $0x2  }
0xbd: {  	s3 =	sand.u32 $0x4000, s31;
	s1 =	sadd.s32 s1, s30  }
0xbe: {  	s0 =	sor.u32 s3, s0;
	s1 =	sshll.u32 s1, $0x11  }
0xbf: {  	s0 =	sor.u32 s1, s0  }
0xc0: {  	s0 =	sadd.s32 $0x8F2B, s0  }
0xc1: {  	[sflag:s0] =	ssyncadd.remote.s32 $0x1  }
0xc2: {  	_ =	sfence.sel $0xFFFF  }
0xc3: {  	[dreg:$0x0] =	wrdreg $0xFFFFFFFF;
	(pc) =	sbr.abs _section_cstart, $3  }
0xc4: {  	[dreg:$0x1] =	wrdreg $0xFFFFFFFF  }
0xc5: {  	_ =	task.clear_ibuf [dreg:s8], $0x2FFFF;
	_ =	strace $0x9FFFFFFF  }
0xc6: {  	(tm) =	ssettm $0x7FFFFFFF  }
0xc7: {  	_ =	shalt  }
tec
execute0_lowered:
.L_overlay_start_1:
0x0: {  	(tag) =	ssettag $0x1  }
0x1: {  	s1 =	rddreg [dreg:$0x0]  }
0x2: {  	s0 =	rddreg [dreg:$0x1]  }
0x3: {  	s2 =	srdreg.scid;
	s6 =	rddreg [dreg:$0x2]  }
0x4: {  	s15 =	stileid.u32;
	s3 =	rddreg [dreg:$0x3]  }
0x5: {  	s28 =	simm.s32 $0x6220;
	s29 =	simm.s32 $0x1;
	s31 =	simm.s32 $0x7620  }
0x6: {  	s30 =	simm.s32 $0x7;
	s2 =	sand.u32 $0x1, s2;
	s8 =	smul.u32 $0x2800, s15  }
0x7: {  	s4 =	sshll.u32 s15, $0x1;
	s11 =	smul.u32 $0x14000, s15;
	s12 =	sadd.s32 $0x14A00, s0  }
0x8: {  	s14 =	sadd.s32 $0x19C00, s0;
	p0 =	seq.s32 s15, $0xF;
	s25 =	smul.u32 $0x138800, s2  }
0x9: {  	s5 =	sor.u32 s2, s4;
	s10 =	ssub.s32 $0x2, s2;
	s2 =	smul.u32 $0x27100, s2  }
0xa: {  	s4 =	rddreg [dreg:$0x4];
	s7 =	smul.u32 $0x4E2, s5;
	s5 =	simm.s32 $0x0  }
0xb: {  	s9 =	sshrl.u32 s8, $0x3;
	s13 =	sshrl.u32 s10, $0x1;
	s24 =	sshrl.u32 s11, $0x3  }
0xc: {  	s16 =	sadd.s32 s11, s3;
	s26 =	sadd.s32 s8, s4;
	s17 =	sadd.s32 $0x25800, s4  }
0xd: {  	[smem:$0x7FF] =	sst s5;
	s9 =	sadd.s32 s9, s0;
	s10 =	ssub.s32 s10, s13  }
0xe: {  	s13 =	sadd.s32 s6, s24;
	_ =	strace $0x80000047;
	[dreg:$0x6] =	wrdreg s12  }
0xf: {  	s6 =	sadd.s32 $0x25800, s6;
	s18 =	sadd.s32 s11, s25;
	[dreg:$0x7] =	wrdreg s16  }
0x10: {  	s22 =	sadd.s32 s8, s2;
	s23 =	sshrl.u32 s25, $0x3;
	[dreg:$0x8] =	wrdreg s13  }
0x11: {  	s2 =	sshrl.u32 s2, $0x3;
	s8 =	simm.s32 $0x8;
	[dreg:$0x9] =	wrdreg s26  }
0x12: {  	s7 =	sadd.s32 s7, s0;
	s12 =	sadd.s32 $0x23A00, s0;
	[dreg:$0xc] =	wrdreg s6  }
0x13: {  	s9 =	sadd.s32 $0x14C00, s9;
	s16 =	sadd.s32 $0x12C000, s3;
	[dreg:$0xd] =	wrdreg s17  }
0x14: {  	s0 =	sadd.s32 $0x19700, s0;
	s19 =	sshrl.u32 s18, $0x3;
	[dreg:$0xa] =	wrdreg s9  }
0x15: {  	s2 =	sadd.s32 s14, s2;
	s26 =	smax.u32 s10, $0x1;
	[dreg:$0xb] =	wrdreg s16  }
0x16: {  	s10 =	simm.s32 $0x9;
	s13 =	simm.s32 $0x4DF8;
	[dreg:$0xe] =	wrdreg s0  }
0x17: {  	s20 =	sadd.s32 $0xAC00, s7;
	s21 =	sadd.s32 $0xE00, s7;
	s0 =	sadd.s32 s12, s19  }
0x18: {  	s6 =	sadd.s32 s12, s23;
	s25 =	sadd.s32 $0x4B00, s2;
	[dreg:$0x15] =	wrdreg s26  }
0x19: {  	s23 =	simm.s32 $0x2710;
	s26 =	simm.s32 $0x4E20;
	[dreg:$0xf] =	wrdreg s20  }
0x1a: {  	s2 =	simm.s32 $0x2;
	s7 =	simm.s32 $0x5;
	[dreg:$0x10] =	wrdreg s21  }
0x1b: {  	s9 =	simm.s32 $0x6;
	s12 =	simm.s32 $0x4DD0;
	[dreg:$0x11] =	wrdreg s0  }
0x1c: {  	s0 =	sshrl.u32 s22, $0x3;
	s24 =	sadd.s32 $0x25800, s6;
	[dreg:$0x14] =	wrdreg s25  }
0x1d: {  	s22 =	simm.s32 $0xA;
	s25 =	simm.s32 $0x28;
	s6 =	simm.s32 $0x3  }
0x1e: {  	s0 =	sadd.s32 s14, s0;
	[dreg:$0x13] =	wrdreg s24;
	s24 =	simm.s32 $0x8A20  }
0x1f: {  	s14 =	simm.s32 $0x0;
	[dreg:$0x12] =	wrdreg s0;
	s0 =	simm.s32 $0x4  }
.LBB2_1:
0x20: {  	s11 =	rddreg [dreg:$0xb];
	s15 =	simm.s32 @p0 $0x1FCA  }
0x21: {  	s18 =	simm.s32 @p0 $0xA;
	s16 =	sshrl.u32 @p0 s11, $0x3;
	s11 =	rddreg [dreg:$0xc]  }
0x22: {  	[spmem:s16], [sflag:s15] =	dma.local @p0 [hbm:s11], $0x1900  }
0x23: {  	_ =	swait.ge @p0 [sflag:s18], $0x1900  }
0x24: {  	[sflag:s18] =	ssyncset.done @p0 $0x0;
	s11 =	rddreg [dreg:$0xd]  }
0x25: {  	[sflag:s18] =	ssyncadd.s32 @p0 $0xFFFFE700;
	s17 =	sshrl.u32 @p0 s11, $0x3;
	s11 =	rddreg [dreg:$0xe]  }
0x26: {  	[spmem:s17], [sflag:s15] =	dma.local @p0 [hbm:s11], $0x320  }
0x27: {  	s11 =	stileid.u32  }
0x28: {  	s20 =	simm.s32 @!p0 $0xA;
	_ =	swait.ge @p0 [sflag:s18], $0x320;
	s15 =	sshll.u32 @!p0 s11, $0x6  }
0x29: {  	[sflag:s18] =	ssyncset.done @p0 $0x0;
	s15 =	sor.u32 @!p0 $0x1C0A, s15;
	s11 =	rddreg [dreg:$0x7]  }
0x2a: {  	[sflag:s18] =	ssyncadd.s32 @p0 $0xFFFFFCE0;
	s18 =	sshrl.u32 @!p0 s11, $0x3;
	s11 =	rddreg [dreg:$0x8]  }
0x2b: {  	[spmem:s18], [sflag:s15] =	dma.local @!p0 [hbm:s11], $0x2800  }
0x2c: {  	_ =	swait.ge @!p0 [sflag:s20], $0x2800  }
0x2d: {  	[sflag:s20] =	ssyncset.done @!p0 $0x0;
	s11 =	rddreg [dreg:$0x9]  }
0x2e: {  	[sflag:s20] =	ssyncadd.s32 @!p0 $0xFFFFD800;
	s19 =	sshrl.u32 @!p0 s11, $0x3;
	s11 =	rddreg [dreg:$0xa]  }
0x2f: {  	[spmem:s19], [sflag:s15] =	dma.local @!p0 [hbm:s11], $0x500  }
0x30: {  	_ =	swait.ge @!p0 [sflag:s20], $0x500  }
0x31: {  	[sflag:s20] =	ssyncset.done @!p0 $0x0  }
0x32: {  	s21 =	rddreg [dreg:$0xf];
	[sflag:s20] =	ssyncadd.s32 @!p0 $0xFFFFFB00  }
0x33: {  	[tilespmem:s5], [sflag:$0xA] =	stream.linear.gather [hbm4b:s21+s5], $0x2710, $0x38;
	[tilespmem:$0x1EC30] =	vst v63  }
0x34: {  	_ =	swait.ge [sflag:s22], $0x2710  }
0x35: {  	[sflag:s22] =	ssyncset.done $0x0  }
0x36: {  	s20 =	rddreg [dreg:$0x10];
	[sflag:s22] =	ssyncadd.s32 $0xFFFFD8F0  }
0x37: {  	[tilespmem:s23], [sflag:$0xA] =	stream.linear.gather [hbm4b:s20+s5], $0x2710, $0x38;
	[tilespmem:$0x1EC30] =	vst v63  }
0x38: {  	_ =	swait.ge [sflag:s22], $0x2710  }
0x39: {  	[sflag:s22] =	ssyncset.done $0x0  }
0x3a: {  	s21 =	rddreg [dreg:$0x6];
	[sflag:s22] =	ssyncadd.s32 $0xFFFFD8F0  }
0x3b: {  	[tilespmem:s24], [sflag:$0xA] =	stream.linear.gather [hbm4b:s21+s5], $0x280, $0x38;
	[tilespmem:$0x1EC30] =	vst v63  }
0x3c: {  	_ =	swait.ge [sflag:s22], $0x280  }
0x3d: {  	[sflag:s22] =	ssyncset.done $0x0  }
0x3e: {  	[sflag:s22] =	ssyncadd.s32 $0xFFFFFD80  }
0x3f: {  	[bflag:$0x0] =	sbarrier.arrive $0xFFFF  }
0x40: {  	[tilespmem:s26], [sflag:$0x1] =	stream.indirect.gather [hbm4b:s1+s25], $0x80, s5, s25, $0xb8;
	[tilespmem:$0x1EC30] =	vst v63  }
0x41: {  	_ = 	snop  }
0x42: {  	[tilespmem:s28], [sflag:$0x2] =	stream.indirect.gather [hbm4b:s1+s25], $0x80, s25, s25, $0xb8;
	[tilespmem:$0x1EC30] =	vst v63  }
0x43: {  	_ =	swait.ge [sflag:s29], $0x1400  }
0x44: {  	[sflag:s29] =	ssyncset.done $0x0  }
0x45: {  	[sflag:s29] =	ssyncadd.s32 $0xFFFFEC00  }
0x46: {  	[spmem:s3] =	stream.indirect.scatter.add.f32 [tilespmem:s26], [sflag:$0x4], $0x80, s23, s25, $0xb8;
	[tilespmem:$0x1EC30] =	vst v63  }
0x47: {  	_ = 	snop  }
0x48: {  	[spmem:s4] =	stream.indirect.scatter.add.f32 [tilespmem:s24], [sflag:$0x7], $0x10, s23, s25, $0xb8;
	[tilespmem:$0x1EC30] =	vst v63  }
0x49: {  	s20 =	simm.s32 $0x50  }
0x4a: {  	[tilespmem:s31], [sflag:$0x3] =	stream.indirect.gather [hbm4b:s1+s25], $0x80, s20, s25, $0xb8;
	[tilespmem:$0x1EC30] =	vst v63  }
0x4b: {  	_ =	swait.ge [sflag:s2], $0x1400  }
0x4c: {  	[sflag:s2] =	ssyncset.done $0x0  }
0x4d: {  	s21 =	simm.s32 $0x2738;
	[sflag:s2] =	ssyncadd.s32 $0xFFFFEC00  }
0x4e: {  	[spmem:s3] =	stream.indirect.scatter.add.f32 [tilespmem:s28], [sflag:$0x5], $0x80, s21, s25, $0xb8;
	[tilespmem:$0x1EC30] =	vst v63  }
0x4f: {  	_ = 	snop  }
0x50: {  	[spmem:s4] =	stream.indirect.scatter.add.f32 [tilespmem:s24], [sflag:$0x8], $0x10, s21, s25, $0xb8;
	[tilespmem:$0x1EC30] =	vst v63  }
0x51: {  	_ =	swait.ge [sflag:s0], $0x1400  }
0x52: {  	[sflag:s0] =	ssyncset.done $0x0  }
0x53: {  	[sflag:s0] =	ssyncadd.s32 $0xFFFFEC00  }
0x54: {  	_ =	swait.ge [sflag:s30], $0x280  }
0x55: {  	[sflag:s30] =	ssyncset.done $0x0  }
0x56: {  	s11 =	simm.s32 $0x78;
	[sflag:s30] =	ssyncadd.s32 $0xFFFFFD80  }
0x57: {  	[tilespmem:s26], [sflag:$0x1] =	stream.indirect.gather [hbm4b:s1+s25], $0x80, s11, s25, $0xb8;
	[tilespmem:$0x1EC30] =	vst v63  }
0x58: {  	_ =	swait.ge [sflag:s6], $0x1400  }
0x59: {  	[sflag:s6] =	ssyncset.done $0x0  }
0x5a: {  	s21 =	simm.s32 $0x2760;
	[sflag:s6] =	ssyncadd.s32 $0xFFFFEC00  }
0x5b: {  	[spmem:s3] =	stream.indirect.scatter.add.f32 [tilespmem:s31], [sflag:$0x6], $0x80, s21, s25, $0xb8;
	[tilespmem:$0x1EC30] =	vst v63  }
0x5c: {  	_ = 	snop  }
0x5d: {  	[spmem:s4] =	stream.indirect.scatter.add.f32 [tilespmem:s24], [sflag:$0x9], $0x10, s21, s25, $0xb8;
	[tilespmem:$0x1EC30] =	vst v63  }
0x5e: {  	_ =	swait.ge [sflag:s7], $0x1400  }
0x5f: {  	[sflag:s7] =	ssyncset.done $0x0  }
0x60: {  	[sflag:s7] =	ssyncadd.s32 $0xFFFFEC00  }
0x61: {  	_ =	swait.ge [sflag:s8], $0x280  }
0x62: {  	[sflag:s8] =	ssyncset.done $0x0  }
0x63: {  	s11 =	simm.s32 $0xA0;
	[sflag:s8] =	ssyncadd.s32 $0xFFFFFD80  }
0x64: {  	[tilespmem:s28], [sflag:$0x2] =	stream.indirect.gather [hbm4b:s1+s25], $0x80, s11, s25, $0xb8;
	[tilespmem:$0x1EC30] =	vst v63  }
0x65: {  	_ =	swait.ge [sflag:s29], $0x1400  }
0x66: {  	[sflag:s29] =	ssyncset.done $0x0  }
0x67: {  	s21 =	simm.s32 $0x2788;
	[sflag:s29] =	ssyncadd.s32 $0xFFFFEC00  }
0x68: {  	[spmem:s3] =	stream.indirect.scatter.add.f32 [tilespmem:s26], [sflag:$0x4], $0x80, s21, s25, $0xb8;
	[tilespmem:$0x1EC30] =	vst v63  }
0x69: {  	_ = 	snop  }
0x6a: {  	[spmem:s4] =	stream.indirect.scatter.add.f32 [tilespmem:s24], [sflag:$0x7], $0x10, s21, s25, $0xb8;
	[tilespmem:$0x1EC30] =	vst v63  }
0x6b: {  	_ =	swait.ge [sflag:s9], $0x1400  }
0x6c: {  	[sflag:s9] =	ssyncset.done $0x0  }
0x6d: {  	[sflag:s9] =	ssyncadd.s32 $0xFFFFEC00  }
0x6e: {  	_ =	swait.ge [sflag:s10], $0x280  }
0x6f: {  	[sflag:s10] =	ssyncset.done $0x0  }
0x70: {  	s20 =	simm.s32 $0x1E0;
	s21 =	simm.s32 $0xC8;
	[sflag:s10] =	ssyncadd.s32 $0xFFFFFD80  }
.LBB2_2:
0x71: {  	[tilespmem:s31], [sflag:$0x3] =	stream.indirect.gather [hbm4b:s1+s25], $0x80, s21, s25, $0xb8;
	[tilespmem:$0x1EC30] =	vst v63  }
0x72: {  	s21 =	smov.u32 s20  }
0x73: {  	p1 =	sne.s32 s20, $0x97E0;
	s20 =	sadd.s32 $0x1E0, s20;
	_ =	swait.ge [sflag:s2], $0x1400  }
0x74: {  	s21 =	sshra.s32 s21, $0x2;
	[sflag:s2] =	ssyncset.done $0x0  }
0x75: {  	s11 =	sadd.s32 $0x2738, s21;
	[sflag:s2] =	ssyncadd.s32 $0xFFFFEC00  }
0x76: {  	[spmem:s3] =	stream.indirect.scatter.add.f32 [tilespmem:s28], [sflag:$0x5], $0x80, s11, s25, $0xb8;
	[tilespmem:$0x1EC30] =	vst v63  }
0x77: {  	_ = 	snop  }
0x78: {  	[spmem:s4] =	stream.indirect.scatter.add.f32 [tilespmem:s24], [sflag:$0x8], $0x10, s11, s25, $0xb8;
	[tilespmem:$0x1EC30] =	vst v63  }
0x79: {  	_ =	swait.ge [sflag:s0], $0x1400  }
0x7a: {  	[sflag:s0] =	ssyncset.done $0x0  }
0x7b: {  	[sflag:s0] =	ssyncadd.s32 $0xFFFFEC00  }
0x7c: {  	_ =	swait.ge [sflag:s30], $0x280  }
0x7d: {  	[sflag:s30] =	ssyncset.done $0x0  }
0x7e: {  	s11 =	sadd.s32 $0x78, s21;
	[sflag:s30] =	ssyncadd.s32 $0xFFFFFD80  }
0x7f: {  	[tilespmem:s26], [sflag:$0x1] =	stream.indirect.gather [hbm4b:s1+s25], $0x80, s11, s25, $0xb8;
	[tilespmem:$0x1EC30] =	vst v63  }
0x80: {  	_ =	swait.ge [sflag:s6], $0x1400  }
0x81: {  	[sflag:s6] =	ssyncset.done $0x0  }
0x82: {  	s11 =	sadd.s32 $0x2760, s21;
	[sflag:s6] =	ssyncadd.s32 $0xFFFFEC00  }
0x83: {  	[spmem:s3] =	stream.indirect.scatter.add.f32 [tilespmem:s31], [sflag:$0x6], $0x80, s11, s25, $0xb8;
	[tilespmem:$0x1EC30] =	vst v63  }
0x84: {  	_ = 	snop  }
0x85: {  	[spmem:s4] =	stream.indirect.scatter.add.f32 [tilespmem:s24], [sflag:$0x9], $0x10, s11, s25, $0xb8;
	[tilespmem:$0x1EC30] =	vst v63  }
0x86: {  	_ =	swait.ge [sflag:s7], $0x1400  }
0x87: {  	[sflag:s7] =	ssyncset.done $0x0  }
0x88: {  	[sflag:s7] =	ssyncadd.s32 $0xFFFFEC00  }
0x89: {  	_ =	swait.ge [sflag:s8], $0x280  }
0x8a: {  	[sflag:s8] =	ssyncset.done $0x0  }
0x8b: {  	s11 =	sadd.s32 $0xA0, s21;
	[sflag:s8] =	ssyncadd.s32 $0xFFFFFD80  }
0x8c: {  	[tilespmem:s28], [sflag:$0x2] =	stream.indirect.gather [hbm4b:s1+s25], $0x80, s11, s25, $0xb8;
	[tilespmem:$0x1EC30] =	vst v63  }
0x8d: {  	_ =	swait.ge [sflag:s29], $0x1400  }
0x8e: {  	[sflag:s29] =	ssyncset.done $0x0  }
0x8f: {  	s11 =	sadd.s32 $0x2788, s21;
	[sflag:s29] =	ssyncadd.s32 $0xFFFFEC00  }
0x90: {  	[spmem:s3] =	stream.indirect.scatter.add.f32 [tilespmem:s26], [sflag:$0x4], $0x80, s11, s25, $0xb8;
	[tilespmem:$0x1EC30] =	vst v63  }
0x91: {  	_ = 	snop  }
0x92: {  	[spmem:s4] =	stream.indirect.scatter.add.f32 [tilespmem:s24], [sflag:$0x7], $0x10, s11, s25, $0xb8;
	[tilespmem:$0x1EC30] =	vst v63  }
0x93: {  	_ =	swait.ge [sflag:s9], $0x1400  }
.Ltmp0:
0x94: {  	[sflag:s9] =	ssyncset.done $0x0;
	(pc) =	sbr.rel @p1 .LBB2_2-.Ltmp0, $4  }
0x95: {  	[sflag:s9] =	ssyncadd.s32 $0xFFFFEC00  }
0x96: {  	_ =	swait.ge [sflag:s10], $0x280  }
0x97: {  	[sflag:s10] =	ssyncset.done $0x0  }
0x98: {  	s21 =	sadd.s32 $0xC8, s21;
	[sflag:s10] =	ssyncadd.s32 $0xFFFFFD80  }
0x99: {  	[tilespmem:s31], [sflag:$0x3] =	stream.indirect.gather [hbm4b:s1+s25], $0x80, s21, s25, $0xb8;
	[tilespmem:$0x1EC30] =	vst v63  }
0x9a: {  	_ =	swait.ge [sflag:s2], $0x1400  }
0x9b: {  	[sflag:s2] =	ssyncset.done $0x0  }
0x9c: {  	s11 =	simm.s32 $0x4DA8;
	[sflag:s2] =	ssyncadd.s32 $0xFFFFEC00  }
0x9d: {  	[spmem:s3] =	stream.indirect.scatter.add.f32 [tilespmem:s28], [sflag:$0x5], $0x80, s11, s25, $0xb8;
	[tilespmem:$0x1EC30] =	vst v63  }
0x9e: {  	_ = 	snop  }
0x9f: {  	[spmem:s4] =	stream.indirect.scatter.add.f32 [tilespmem:s24], [sflag:$0x8], $0x10, s11, s25, $0xb8;
	[tilespmem:$0x1EC30] =	vst v63  }
0xa0: {  	_ =	swait.ge [sflag:s0], $0x1400  }
0xa1: {  	[sflag:s0] =	ssyncset.done $0x0  }
0xa2: {  	[sflag:s0] =	ssyncadd.s32 $0xFFFFEC00  }
0xa3: {  	_ =	swait.ge [sflag:s30], $0x280  }
0xa4: {  	[sflag:s30] =	ssyncset.done $0x0  }
0xa5: {  	s20 =	simm.s32 $0x26E8;
	[sflag:s30] =	ssyncadd.s32 $0xFFFFFD80  }
0xa6: {  	[tilespmem:s26], [sflag:$0x1] =	stream.indirect.gather [hbm4b:s1+s25], $0x80, s20, s25, $0xb8;
	[tilespmem:$0x1EC30] =	vst v63  }
0xa7: {  	_ =	swait.ge [sflag:s6], $0x1400  }
0xa8: {  	[sflag:s6] =	ssyncset.done $0x0  }
0xa9: {  	[sflag:s6] =	ssyncadd.s32 $0xFFFFEC00  }
0xaa: {  	[spmem:s3] =	stream.indirect.scatter.add.f32 [tilespmem:s31], [sflag:$0x6], $0x80, s12, s25, $0xb8;
	[tilespmem:$0x1EC30] =	vst v63  }
0xab: {  	_ = 	snop  }
0xac: {  	[spmem:s4] =	stream.indirect.scatter.add.f32 [tilespmem:s24], [sflag:$0x9], $0x10, s12, s25, $0xb8;
	[tilespmem:$0x1EC30] =	vst v63  }
0xad: {  	_ =	swait.ge [sflag:s7], $0x1400  }
0xae: {  	[sflag:s7] =	ssyncset.done $0x0  }
0xaf: {  	[sflag:s7] =	ssyncadd.s32 $0xFFFFEC00  }
0xb0: {  	_ =	swait.ge [sflag:s8], $0x280  }
0xb1: {  	[sflag:s8] =	ssyncset.done $0x0  }
0xb2: {  	[sflag:s8] =	ssyncadd.s32 $0xFFFFFD80  }
0xb3: {  	_ =	swait.ge [sflag:s29], $0x1400  }
0xb4: {  	[sflag:s29] =	ssyncset.done $0x0  }
0xb5: {  	[sflag:s29] =	ssyncadd.s32 $0xFFFFEC00  }
0xb6: {  	[spmem:s3] =	stream.indirect.scatter.add.f32 [tilespmem:s26], [sflag:$0x4], $0x80, s13, s25, $0xb8;
	[tilespmem:$0x1EC30] =	vst v63  }
0xb7: {  	_ = 	snop  }
0xb8: {  	[spmem:s4] =	stream.indirect.scatter.add.f32 [tilespmem:s24], [sflag:$0x7], $0x10, s13, s25, $0xb8;
	[tilespmem:$0x1EC30] =	vst v63  }
0xb9: {  	_ =	swait.ge [sflag:s9], $0x1400  }
0xba: {  	[sflag:s9] =	ssyncset.done $0x0  }
0xbb: {  	[sflag:s9] =	ssyncadd.s32 $0xFFFFEC00  }
0xbc: {  	_ =	swait.ge [sflag:s10], $0x280  }
0xbd: {  	[sflag:s10] =	ssyncset.done $0x0  }
0xbe: {  	[sflag:s10] =	ssyncadd.s32 $0xFFFFFD80  }
0xbf: {  	_ =	swait.ge [sflag:s0], $0x1400  }
0xc0: {  	[sflag:s0] =	ssyncset.done $0x0  }
0xc1: {  	[sflag:s0] =	ssyncadd.s32 $0xFFFFEC00  }
0xc2: {  	_ =	swait.ge [sflag:s30], $0x280  }
0xc3: {  	[sflag:s30] =	ssyncset.done $0x0  }
0xc4: {  	[sflag:s30] =	ssyncadd.s32 $0xFFFFFD80  }
0xc5: {  	[bflag:$0x0] =	sbarrier.arrive $0xFFFF  }
0xc6: {  	s11 =	simm.s32 @p0 $0x1FCA;
	s20 =	rddreg [dreg:$0x13]  }
0xc7: {  	[hbm:s20], [sflag:s11] =	dma.local @p0 [spmem:s16], $0x1900  }
0xc8: {  	s16 =	simm.s32 @p0 $0xA  }
0xc9: {  	_ =	swait.ge @p0 [sflag:s16], $0x1900  }
0xca: {  	[sflag:s16] =	ssyncset.done @p0 $0x0  }
0xcb: {  	s20 =	rddreg [dreg:$0x14];
	[sflag:s16] =	ssyncadd.s32 @p0 $0xFFFFE700  }
0xcc: {  	[hbm:s20], [sflag:s11] =	dma.local @p0 [spmem:s17], $0x320  }
0xcd: {  	_ =	swait.ge @p0 [sflag:s16], $0x320  }
0xce: {  	[sflag:s16] =	ssyncset.done @p0 $0x0  }
0xcf: {  	s11 =	rddreg [dreg:$0x11];
	[sflag:s16] =	ssyncadd.s32 @p0 $0xFFFFFCE0  }
0xd0: {  	[hbm:s11], [sflag:s15] =	dma.local @!p0 [spmem:s18], $0x2800  }
0xd1: {  	s11 =	simm.s32 @!p0 $0xA  }
0xd2: {  	_ =	swait.ge @!p0 [sflag:s11], $0x2800  }
0xd3: {  	[sflag:s11] =	ssyncset.done @!p0 $0x0  }
0xd4: {  	s16 =	rddreg [dreg:$0x12];
	[sflag:s11] =	ssyncadd.s32 @!p0 $0xFFFFD800  }
0xd5: {  	[hbm:s16], [sflag:s15] =	dma.local @!p0 [spmem:s19], $0x500  }
0xd6: {  	_ =	swait.ge @!p0 [sflag:s11], $0x500  }
0xd7: {  	s14 =	sadd.s32 $0x1, s14;
	s21 =	rddreg [dreg:$0x15]  }
0xd8: {  	p1 =	sne.s32 s14, s21  }
.Ltmp1:
0xd9: {  	_ = 	snop;
	(pc) =	sbr.rel @p1 .LBB2_1-.Ltmp1, $3  }
0xda: {  	_ =	sdelay $0x1  }
0xdb: {  	[sflag:s11] =	ssyncset.done @!p0 $0x0  }
0xdc: {  	[sflag:s11] =	ssyncadd.s32 @!p0 $0xFFFFFB00  }
0xdd: {  	_ =	sfence.sel $0x180000  }
0xde: {  	[bflag:$0x0] =	sbarrier.arrive $0xFFFF  }
0xdf: {  	_ =	strace $0x90000047  }
0xe0: {  	s0 =	stileid.u32;
	[bflag:$0x2] =	sbarrier.arrive $0xFFFF  }
0xe1: {  	p0 =	sne.s32 s0, $0x0;
	s0 =	rddreg [dreg:$0x5]  }
0xe2: {  	s0 =	sadd.s32 @!p0 $0x100000, s0  }
0xe3: {  	[sflag:s0] =	ssyncadd.tile.s32 @!p0 $0x1;
	_ =	shalt  }
.Lfunc_end2:
_tile_overlayer_lowered:
.L_overlay_start_2:
0xe4: {  	(tag) =	ssettag $0x2  }
0xe5: {  	s0 =	rddreg [dreg:$0x0];
	s2 =	stileid.u32  }
0xe6: {  	s1 =	rddreg [dreg:$0x1];
	p0 =	sne.s32 s2, $0x0  }
0xe7: {  	s3 =	rddreg [dreg:$0x2];
	[bflag:$0x3] =	sbarrier.arrive $0xFFFF;
	s2 =	simm.s32 @!p0 $0x1C0A  }
0xe8: {  	[timem:s3], [sflag:s2] =	dma.local @!p0 [hbm:s0], s1  }
0xe9: {  	s0 =	simm.s32 @!p0 $0xA  }
0xea: {  	_ =	swait.ge @!p0 [sflag:s0], s1  }
0xeb: {  	s1 =	ssub.s32 @!p0 $0x0, s1;
	[sflag:s0] =	ssyncset.done @!p0 $0x0  }
0xec: {  	[sflag:s0] =	ssyncadd.s32 @!p0 s1  }
0xed: {  	[bflag:$0x3] =	sbarrier.arrive $0xFFFF  }
0xee: {  	_ =	shalt  }

</sc_bundles>
